<compile_context>
chip_gen: v7x
topology: tpu7x:2x2x1
jax: 0.10.2.dev20260603
libtpu: 0.0.44.dev20260713+nightly
codegen_flags: <defaults>
</compile_context>

<pallas_src>
import functools

import jax
import jax.numpy as jnp
from jax import lax
from jax.experimental import pallas as pl
from jax.experimental.pallas import tpu as pltpu
from jax.experimental.pallas import tpu_sc as plsc

N = 100000
E = 1600000
NODE = 10
PAD = 16
NC = 2
NS = 16
NW = NC * NS

ROWS = 2 * E
RPW = ROWS // NW
GK = 5000
GCH = RPW // GK
PW = 8
SROW = 128
TR = E // SROW
RB = TR // NW
EXTRA = TR - NW * RB
SB = 15
SCH = RB // SB

_mesh = functools.partial(
    plsc.VectorSubcoreMesh,
    core_axis_name="c", subcore_axis_name="s",
    num_cores=NC, num_subcores=NS,
)

_sc_params = pltpu.CompilerParams(use_tc_tiling_on_sc=False)



@functools.partial(
    pl.kernel,
    out_type=jax.ShapeDtypeStruct((ROWS, PAD), jnp.float32),
    mesh=_mesh(),
    scratch_types=[
        pltpu.VMEM((GK,), jnp.int32),
        pltpu.VMEM((GK, PAD), jnp.float32),
        pltpu.SemaphoreType.DMA,
    ],
    compiler_params=_sc_params,
)
def _gather_rows(table, idx, attr, out, idx_v, rows_v, sem):
    c = lax.axis_index("c")
    s = lax.axis_index("s")
    wid = s * NC + c
    base = wid * RPW

    def body(k, carry):
        off = base + k * GK
        pltpu.sync_copy(idx.at[pl.ds(off, GK)], idx_v)
        pltpu.async_copy(table.at[idx_v], rows_v, sem).wait()

        @pl.when(wid < NW // 2)
        def _():
            pltpu.sync_copy(attr.at[pl.ds(off, GK)],
                            rows_v.at[:, pl.ds(NODE, 2)])

        pltpu.sync_copy(rows_v, out.at[pl.ds(off, GK)])
        return carry

    lax.fori_loop(0, GCH, body, 0)



@functools.partial(
    pl.kernel,
    out_type=jax.ShapeDtypeStruct((NC, N, PW), jnp.float32),
    mesh=_mesh(),
    scratch_types=[
        pltpu.VMEM((SB, SROW), jnp.int32),
        pltpu.VMEM((SB * SROW, PW), jnp.float32),
        pltpu.VMEM_SHARED((N, PW), jnp.float32),
        pltpu.SemaphoreType.DMA,
    ],
    compiler_params=_sc_params,
)
def _scatter_add(dst2d, t, zeros, out, idx_v, pay_v, acc, sem):
    c = lax.axis_index("c")
    s = lax.axis_index("s")

    @pl.when(s == 0)
    def _():
        pltpu.sync_copy(zeros, acc)

    plsc.subcore_barrier()
    wid = s * NC + c
    row_base = wid * RB

    def chunk(row_off, nrows):
        pltpu.sync_copy(dst2d.at[pl.ds(row_off, nrows)],
                        idx_v.at[pl.ds(0, nrows)])
        pltpu.sync_copy(t.at[pl.ds(row_off * SROW, nrows * SROW)],
                        pay_v.at[pl.ds(0, nrows * SROW)])
        handles = []
        for j in range(nrows):
            handles.append(pltpu.async_copy(
                pay_v.at[pl.ds(j * SROW, SROW)],
                acc.at[idx_v.at[j]], sem, add=True))
        for h in handles:
            h.wait()

    def body(k, carry):
        chunk(row_base + k * SB, SB)
        return carry

    lax.fori_loop(0, SCH, body, 0)

    @pl.when(wid < EXTRA)
    def _():
        chunk(NW * RB + wid, 1)

    plsc.subcore_barrier()

    @pl.when(s == 0)
    def _():
        pltpu.sync_copy(acc, out.at[c])



EPACK = 8
ER = E // EPACK
BR = 2000
H2 = EPACK * 128
TW = EPACK * PW


def _edge_mlp_body(g_ref, wab_ref, b1_ref, wo_ref, c4_ref, t_ref):
    pair = jnp.concatenate([g_ref[0], g_ref[1]], axis=1)
    h = jnp.dot(pair, wab_ref[...], preferred_element_type=jnp.float32,
                precision=jax.lax.Precision.HIGHEST)
    h = jnp.maximum(h + b1_ref[...], 0.0)
    t = jnp.dot(h, wo_ref[...], preferred_element_type=jnp.float32,
                precision=jax.lax.Precision.HIGHEST)
    t_ref[...] = t + c4_ref[...]


def _edge_mlp(g3, wab, b1bd, wobd, c4bd):
    return pl.pallas_call(
        _edge_mlp_body,
        grid=(ER // BR,),
        in_specs=[
            pl.BlockSpec((2, BR, 128), lambda i: (0, i, 0)),
            pl.BlockSpec((256, H2), lambda i: (0, 0)),
            pl.BlockSpec((1, H2), lambda i: (0, 0)),
            pl.BlockSpec((H2, TW), lambda i: (0, 0)),
            pl.BlockSpec((1, TW), lambda i: (0, 0)),
        ],
        out_specs=pl.BlockSpec((BR, TW), lambda i: (i, 0)),
        out_shape=jax.ShapeDtypeStruct((ER, TW), jnp.float32),
    )(g3, wab, b1bd, wobd, c4bd)



BN = 2000


def _heads_body(x_ref, acc_ref, wh_ref, bh_ref, vwx_ref, z_ref, v_ref):
    i = pl.program_id(0)
    seg = acc_ref[0] + acc_ref[1]
    z = jnp.dot(x_ref[...], wh_ref[...], preferred_element_type=jnp.float32)
    z = z + seg[:, 0:3] + bh_ref[...]
    z_ref[...] = jnp.maximum(z, 0.0) + jnp.log(1.0 + jnp.exp(-jnp.abs(z)))
    part = jnp.sum(jnp.dot(x_ref[...], vwx_ref[...],
                           preferred_element_type=jnp.float32))
    part = part + jnp.sum(seg[:, 3])

    @pl.when(i == 0)
    def _():
        v_ref[...] = jnp.zeros((1, 1), jnp.float32)

    v_ref[...] += jnp.full((1, 1), part, jnp.float32)


def _heads(x, acc, whead, bhead, vwx):
    return pl.pallas_call(
        _heads_body,
        grid=(N // BN,),
        in_specs=[
            pl.BlockSpec((BN, NODE), lambda i: (i, 0)),
            pl.BlockSpec((2, BN, PW), lambda i: (0, i, 0)),
            pl.BlockSpec((NODE, 3), lambda i: (0, 0)),
            pl.BlockSpec((1, 3), lambda i: (0, 0)),
            pl.BlockSpec((NODE, 1), lambda i: (0, 0)),
        ],
        out_specs=[
            pl.BlockSpec((BN, 3), lambda i: (i, 0)),
            pl.BlockSpec((1, 1), lambda i: (0, 0)),
        ],
        out_shape=[
            jax.ShapeDtypeStruct((N, 3), jnp.float32),
            jax.ShapeDtypeStruct((1, 1), jnp.float32),
        ],
    )(x, acc, whead, bhead, vwx)



def kernel(x, edge_index, edge_attr,
           aW1, ab1, aW2, ab2,
           mu_W, mu_b, sig_W, sig_b, con_W, con_b,
           cW1, cb1, cW2, cb2, v_W, v_b):
    f32 = jnp.float32
    threshold = 1e-12

    con_W_x, con_W_h = con_W[:NODE], con_W[NODE:]
    mu_W_x, mu_W_h = mu_W[:NODE], mu_W[NODE:]
    sig_W_x, sig_W_h = sig_W[:NODE], sig_W[NODE:]
    v_W_x, v_W_h = v_W[:NODE], v_W[NODE:]

    wh3 = jnp.concatenate([con_W_h, mu_W_h, sig_W_h], axis=1)
    wout = jnp.zeros((128, PW), f32)
    wout = wout.at[:64, 0:3].set(aW2 @ wh3)
    wout = wout.at[64:, 3:4].set(cW2 @ v_W_h)
    c4 = jnp.concatenate([ab2 @ wh3, jnp.zeros((PW - 3,), f32)]).reshape(1, PW)

    w1 = jnp.concatenate([aW1, cW1], axis=1)
    b1g = jnp.concatenate([ab1, cb1])

    wi16 = jnp.zeros((PAD, 128), f32)
    wi16 = wi16.at[0:NODE].set(w1[0:NODE])
    wi16 = wi16.at[NODE:NODE + 2].set(w1[2 * NODE:])
    wj16 = jnp.zeros((PAD, 128), f32)
    wj16 = wj16.at[0:NODE].set(w1[NODE:2 * NODE])

    wab = jnp.zeros((2 * 128, H2), f32)
    wobd = jnp.zeros((H2, TW), f32)
    for k in range(EPACK):
        wab = wab.at[PAD * k:PAD * (k + 1), 128 * k:128 * (k + 1)].set(wi16)
        wab = wab.at[128 + PAD * k:128 + PAD * (k + 1),
                     128 * k:128 * (k + 1)].set(wj16)
        wobd = wobd.at[128 * k:128 * (k + 1), PW * k:PW * (k + 1)].set(wout)
    b1bd = jnp.tile(b1g, EPACK).reshape(1, H2)
    c4bd = jnp.tile(c4.reshape(PW), EPACK).reshape(1, TW)

    whead = jnp.concatenate([con_W_x, mu_W_x, sig_W_x], axis=1)
    bhead = jnp.stack([con_b[0], mu_b[0], sig_b[0]]).reshape(1, 3)

    x_pad = jnp.zeros((N, PAD), f32).at[:, :NODE].set(x)
    idx_flat = edge_index.reshape(ROWS)
    g = _gather_rows(x_pad, idx_flat, edge_attr)
    g3 = g.reshape(2, ER, 128)

    t = _edge_mlp(g3, wab, b1bd, wobd, c4bd)

    zeros = jnp.zeros((N, PW), f32)
    dst2d = edge_index[0].reshape(TR, SROW)
    acc = _scatter_add(dst2d, t.reshape(E, PW), zeros)

    z, vpart = _heads(x, acc, whead, bhead, vwx=v_W_x)

    mu = z[0:1, 1:2] + threshold
    sigma = z[0:1, 2:3] + threshold
    alpha = z[1:, 0:1]
    v = vpart.reshape(1) + E * (cb2 @ v_W_h) + v_b
    return (mu, sigma, alpha, v)

# --- scband reference (transcript-rebuilt; emitter-appended) ---
"""Pipeline reference for scband-a2-c-26938034880701 (READ-ONLY COPY).

The authoritative reference and input builder live on the scoring server;
editing this copy changes nothing except your own understanding.
"""

import jax, jax.numpy as jnp
import numpy as np

N = 100000
E = 1600000
NODE = 10
EDGE = 2
H = 64
NF = 1  # num_factories


def setup_inputs(seed: int = 0) -> dict:
    key = jax.random.key(seed)
    ks = jax.random.split(key, 24)
    x = jax.random.normal(ks[0], (N, NODE), dtype=jnp.float32)
    edge_index = jax.random.randint(ks[1], (2, E), 0, N)
    edge_attr = jax.random.normal(ks[2], (E, EDGE), dtype=jnp.float32)
    d_in = 2 * NODE + EDGE  # 22
    d_cat = NODE + H        # 74
    def lin(k, fan_in, fan_out):
        s = 1.0 / np.sqrt(fan_in)
        kW, kb = jax.random.split(k)
        W = jax.random.uniform(kW, (fan_in, fan_out), jnp.float32, -s, s)
        b = jax.random.uniform(kb, (fan_out,), jnp.float32, -s, s)
        return W, b
    aW1, ab1 = lin(ks[3], d_in, H)
    aW2, ab2 = lin(ks[4], H, H)
    mu_W, mu_b = lin(ks[5], d_cat, 1)
    sig_W, sig_b = lin(ks[6], d_cat, 1)
    con_W, con_b = lin(ks[7], d_cat, 1)
    cW1, cb1 = lin(ks[8], d_in, H)
    cW2, cb2 = lin(ks[9], H, H)
    v_W, v_b = lin(ks[10], d_cat, 1)
    return {
        'x': x, 'edge_index': edge_index, 'edge_attr': edge_attr,
        'aW1': aW1, 'ab1': ab1, 'aW2': aW2, 'ab2': ab2,
        'mu_W': mu_W, 'mu_b': mu_b, 'sig_W': sig_W, 'sig_b': sig_b,
        'con_W': con_W, 'con_b': con_b,
        'cW1': cW1, 'cb1': cb1, 'cW2': cW2, 'cb2': cb2,
        'v_W': v_W, 'v_b': v_b,
    }


def _edge_conv(x, edge_index, edge_attr, W1, b1, W2, b2):
    # PyG MessagePassing(aggr='add', flow='target_to_source'):
    # i = edge_index[0], j = edge_index[1]; aggregate messages at node i.
    x_i = jnp.take(x, edge_index[0], axis=0)
    x_j = jnp.take(x, edge_index[1], axis=0)
    tmp = jnp.concatenate([x_i, x_j, edge_attr], axis=1)
    h = jnp.maximum(tmp @ W1 + b1, 0.0)
    msg = h @ W2 + b2
    return jax.ops.segment_sum(msg, edge_index[0], num_segments=x.shape[0])


def reference(x, edge_index, edge_attr,
              aW1, ab1, aW2, ab2,
              mu_W, mu_b, sig_W, sig_b, con_W, con_b,
              cW1, cb1, cW2, cb2, v_W, v_b):
    threshold = 1e-12
    sp = jax.nn.softplus
    # Actor
    conv_a = _edge_conv(x, edge_index, edge_attr, aW1, ab1, aW2, ab2)
    x_pp = jnp.concatenate([x, conv_a], axis=1)
    mu = sp(x_pp[:NF] @ mu_W + mu_b) + threshold
    sigma = sp(x_pp[:NF] @ sig_W + sig_b) + threshold
    alpha = sp(x_pp[NF:] @ con_W + con_b)
    # Critic
    conv_c = _edge_conv(x, edge_index, edge_attr, cW1, cb1, cW2, cb2)
    x_pp_c = jnp.concatenate([x, conv_c], axis=1)
    g = jnp.sum(x_pp_c, axis=0)
    v = g @ v_W + v_b
    return (mu, sigma, alpha, v)

if __name__ == "__main__":
    import jax
    _d = setup_inputs()
    print(jax.jit(kernel)(*tuple(_d.values())))

</pallas_src>

<mosaic_0001>
#map = affine_map<(d0, d1) -> (0, 0)>
#map1 = affine_map<(d0, d1) -> (0, 0, 0)>
module attributes {stable_mosaic.version = 14 : i64} {
  func.func @_scatter_add(%arg0: i32, %arg1: i32, %arg2: memref<12500x128xi32, #tpu.memory_space<hbm>>, %arg3: memref<1600000x8xf32, #tpu.memory_space<hbm>>, %arg4: memref<100000x8xf32, #tpu.memory_space<hbm>>, %arg5: memref<2x100000x8xf32, #tpu.memory_space<hbm>>, %arg6: memref<15x128xi32, #tpu.memory_space<vmem>>, %arg7: memref<1920x8xf32, #tpu.memory_space<vmem>>, %arg8: memref<100000x8xf32, #tpu.memory_space<vmem_shared>>, %arg9: memref<!tpu.dma_semaphore, #tpu.memory_space<semaphore_mem>>) attributes {dimension_semantics = [#tpu.dimension_semantics<core_parallel>, #tpu.dimension_semantics<subcore_parallel>], iteration_bounds = array<i64: 2, 16>, scalar_prefetch = 0 : i64, scratch_operands = 4 : i64, tpu.core_type = #tpu.core_type<sc_vector_subcore>, window_params = [{transform_indices = #map}, {transform_indices = #map}, {transform_indices = #map}, {transform_indices = #map1}]} {
    %eq3A = arith.constant 0 : i32
    %eq3A_0 = arith.cmpi eq, %arg1, %eq3A : i32
    %convert_element_type3A = arith.extui %eq3A_0 : i1 to i32
    %cond3A = arith.constant 0 : i32
    %cond3A_1 = arith.cmpi ne, %convert_element_type3A, %cond3A : i32
    scf.if %cond3A_1 {
      "tpu.region"() ({
        %run_scoped3A = tpu.sem_alloc : memref<!tpu.dma_semaphore, #tpu.memory_space<semaphore_mem>>
        tpu.enqueue_dma source(%arg4 : memref<100000x8xf32, #tpu.memory_space<hbm>>) target(%arg8 : memref<100000x8xf32, #tpu.memory_space<vmem_shared>>) target_semaphore(%run_scoped3A : memref<!tpu.dma_semaphore, #tpu.memory_space<semaphore_mem>>)
        tpu.wait_dma2 semaphore(%run_scoped3A : memref<!tpu.dma_semaphore, #tpu.memory_space<semaphore_mem>>) src(%arg4 : memref<100000x8xf32, #tpu.memory_space<hbm>>) dst(%arg8 : memref<100000x8xf32, #tpu.memory_space<vmem_shared>>)
        tpu.yield
      }) : () -> ()
    } else {
    }
    %barrier3A = arith.constant 0 : index
    tpu.barrier barrier_id(%barrier3A)
    %mul3A = arith.constant 2 : i32
    %mul3A_2 = arith.muli %arg1, %mul3A : i32
    %add3A = arith.addi %mul3A_2, %arg0 : i32
    %mul3A_3 = arith.constant 390 : i32
    %mul3A_4 = arith.muli %add3A, %mul3A_3 : i32
    %scan3A = arith.constant 0 : i32
    %scan3A_5 = arith.constant 0 : i32
    %scan3A_6 = arith.constant 26 : i32
    %scan3A_7 = arith.addi %scan3A_5, %scan3A_6 : i32
    %scan3A_8 = arith.constant 1 : i32
    scf.for %scan3A_20 = %scan3A_5 to %scan3A_7 step %scan3A_8  : i32 {
      %mul3A_21 = arith.constant 15 : i32
      %mul3A_22 = arith.muli %scan3A_20, %mul3A_21 : i32
      %add3A_23 = arith.addi %mul3A_4, %mul3A_22 : i32
      "tpu.region"() ({
        %run_scoped3A = tpu.sem_alloc : memref<!tpu.dma_semaphore, #tpu.memory_space<semaphore_mem>>
        %dma_start3A_324 = arith.constant 0 : i32
        %dma_start3A_325 = arith.constant 0 : i32
        %dma_start3A_326 = tpu.memref_slice %arg6[%dma_start3A_324, %dma_start3A_325] : memref<15x128xi32, #tpu.memory_space<vmem>> -> memref<15x128xi32, #tpu.memory_space<vmem>>
        %dma_start3A_327 = arith.constant 0 : i32
        %dma_start3A_328 = tpu.memref_slice %arg2[%add3A_23, %dma_start3A_327] : memref<12500x128xi32, #tpu.memory_space<hbm>> -> memref<15x128xi32, #tpu.memory_space<hbm>>
        %dma_start3A_329 = arith.constant 0 : i32
        %dma_start3A_330 = arith.constant 0 : i32
        %dma_start3A_331 = tpu.memref_slice %arg6[%dma_start3A_329, %dma_start3A_330] : memref<15x128xi32, #tpu.memory_space<vmem>> -> memref<15x128xi32, #tpu.memory_space<vmem>>
        %dma_start3A_332 = arith.constant 0 : i32
        %dma_start3A_333 = tpu.memref_slice %arg2[%add3A_23, %dma_start3A_332] : memref<12500x128xi32, #tpu.memory_space<hbm>> -> memref<15x128xi32, #tpu.memory_space<hbm>>
        tpu.enqueue_dma source(%dma_start3A_333 : memref<15x128xi32, #tpu.memory_space<hbm>>) target(%dma_start3A_331 : memref<15x128xi32, #tpu.memory_space<vmem>>) target_semaphore(%run_scoped3A : memref<!tpu.dma_semaphore, #tpu.memory_space<semaphore_mem>>)
        %dma_wait3A_334 = arith.constant 0 : i32
        %dma_wait3A_335 = arith.constant 0 : i32
        %dma_wait3A_336 = tpu.memref_slice %arg6[%dma_wait3A_334, %dma_wait3A_335] : memref<15x128xi32, #tpu.memory_space<vmem>> -> memref<15x128xi32, #tpu.memory_space<vmem>>
        %dma_wait3A_337 = arith.constant 0 : i32
        %dma_wait3A_338 = tpu.memref_slice %arg2[%add3A_23, %dma_wait3A_337] : memref<12500x128xi32, #tpu.memory_space<hbm>> -> memref<15x128xi32, #tpu.memory_space<hbm>>
        %dma_wait3A_339 = arith.constant 0 : i32
        %dma_wait3A_340 = arith.constant 0 : i32
        %dma_wait3A_341 = tpu.memref_slice %arg6[%dma_wait3A_339, %dma_wait3A_340] : memref<15x128xi32, #tpu.memory_space<vmem>> -> memref<15x128xi32, #tpu.memory_space<vmem>>
        %dma_wait3A_342 = arith.constant 0 : i32
        %dma_wait3A_343 = tpu.memref_slice %arg2[%add3A_23, %dma_wait3A_342] : memref<12500x128xi32, #tpu.memory_space<hbm>> -> memref<15x128xi32, #tpu.memory_space<hbm>>
        tpu.wait_dma2 semaphore(%run_scoped3A : memref<!tpu.dma_semaphore, #tpu.memory_space<semaphore_mem>>) src(%dma_wait3A_343 : memref<15x128xi32, #tpu.memory_space<hbm>>) dst(%dma_wait3A_341 : memref<15x128xi32, #tpu.memory_space<vmem>>)
        tpu.yield
      }) : () -> ()
      %mul3A_24 = arith.constant 128 : i32
      %mul3A_25 = arith.muli %add3A_23, %mul3A_24 : i32
      "tpu.region"() ({
        %run_scoped3A = tpu.sem_alloc : memref<!tpu.dma_semaphore, #tpu.memory_space<semaphore_mem>>
        %dma_start3A_324 = arith.constant 0 : i32
        %dma_start3A_325 = arith.constant 0 : i32
        %dma_start3A_326 = tpu.memref_slice %arg7[%dma_start3A_324, %dma_start3A_325] : memref<1920x8xf32, #tpu.memory_space<vmem>> -> memref<1920x8xf32, #tpu.memory_space<vmem>>
        %dma_start3A_327 = arith.constant 0 : i32
        %dma_start3A_328 = tpu.memref_slice %arg3[%mul3A_25, %dma_start3A_327] : memref<1600000x8xf32, #tpu.memory_space<hbm>> -> memref<1920x8xf32, #tpu.memory_space<hbm>>
        %dma_start3A_329 = arith.constant 0 : i32
        %dma_start3A_330 = arith.constant 0 : i32
        %dma_start3A_331 = tpu.memref_slice %arg7[%dma_start3A_329, %dma_start3A_330] : memref<1920x8xf32, #tpu.memory_space<vmem>> -> memref<1920x8xf32, #tpu.memory_space<vmem>>
        %dma_start3A_332 = arith.constant 0 : i32
        %dma_start3A_333 = tpu.memref_slice %arg3[%mul3A_25, %dma_start3A_332] : memref<1600000x8xf32, #tpu.memory_space<hbm>> -> memref<1920x8xf32, #tpu.memory_space<hbm>>
        tpu.enqueue_dma source(%dma_start3A_333 : memref<1920x8xf32, #tpu.memory_space<hbm>>) target(%dma_start3A_331 : memref<1920x8xf32, #tpu.memory_space<vmem>>) target_semaphore(%run_scoped3A : memref<!tpu.dma_semaphore, #tpu.memory_space<semaphore_mem>>)
        %dma_wait3A_334 = arith.constant 0 : i32
        %dma_wait3A_335 = arith.constant 0 : i32
        %dma_wait3A_336 = tpu.memref_slice %arg7[%dma_wait3A_334, %dma_wait3A_335] : memref<1920x8xf32, #tpu.memory_space<vmem>> -> memref<1920x8xf32, #tpu.memory_space<vmem>>
        %dma_wait3A_337 = arith.constant 0 : i32
        %dma_wait3A_338 = tpu.memref_slice %arg3[%mul3A_25, %dma_wait3A_337] : memref<1600000x8xf32, #tpu.memory_space<hbm>> -> memref<1920x8xf32, #tpu.memory_space<hbm>>
        %dma_wait3A_339 = arith.constant 0 : i32
        %dma_wait3A_340 = arith.constant 0 : i32
        %dma_wait3A_341 = tpu.memref_slice %arg7[%dma_wait3A_339, %dma_wait3A_340] : memref<1920x8xf32, #tpu.memory_space<vmem>> -> memref<1920x8xf32, #tpu.memory_space<vmem>>
        %dma_wait3A_342 = arith.constant 0 : i32
        %dma_wait3A_343 = tpu.memref_slice %arg3[%mul3A_25, %dma_wait3A_342] : memref<1600000x8xf32, #tpu.memory_space<hbm>> -> memref<1920x8xf32, #tpu.memory_space<hbm>>
        tpu.wait_dma2 semaphore(%run_scoped3A : memref<!tpu.dma_semaphore, #tpu.memory_space<semaphore_mem>>) src(%dma_wait3A_343 : memref<1920x8xf32, #tpu.memory_space<hbm>>) dst(%dma_wait3A_341 : memref<1920x8xf32, #tpu.memory_space<vmem>>)
        tpu.yield
      }) : () -> ()
      %dma_start3A = arith.constant 0 : i32
      %dma_start3A_26 = arith.constant 0 : i32
      %dma_start3A_27 = arith.constant 0 : i32
      %dma_start3A_28 = tpu.memref_slice %arg7[%dma_start3A_26, %dma_start3A_27] : memref<1920x8xf32, #tpu.memory_space<vmem>> -> memref<128x8xf32, #tpu.memory_space<vmem>>
      %dma_start3A_29 = arith.constant 0 : i32
      %dma_start3A_30 = tpu.memref_slice %arg6[%dma_start3A, %dma_start3A_29] : memref<15x128xi32, #tpu.memory_space<vmem>> -> memref<1x128xi32, #tpu.memory_space<vmem>>
      %dma_start3A_31 = tpu.memref_squeeze %dma_start3A_30 : memref<1x128xi32, #tpu.memory_space<vmem>> -> memref<128xi32, #tpu.memory_space<vmem>>
      %dma_start3A_32 = arith.constant 0 : i32
      %dma_start3A_33 = arith.constant 0 : i32
      %dma_start3A_34 = tpu.memref_slice %arg8[%dma_start3A_32, %dma_start3A_33] : memref<100000x8xf32, #tpu.memory_space<vmem_shared>> -> memref<100000x8xf32, #tpu.memory_space<vmem_shared>>
      tpu.enqueue_indirect_dma source(%dma_start3A_28 : memref<128x8xf32, #tpu.memory_space<vmem>>) target(%dma_start3A_34 : memref<100000x8xf32, #tpu.memory_space<vmem_shared>>) offsets(%dma_start3A_31 : memref<128xi32, #tpu.memory_space<vmem>>) semaphore(%arg9 : memref<!tpu.dma_semaphore, #tpu.memory_space<semaphore_mem>>) {add = true}
      %dma_start3A_35 = arith.constant 1 : i32
      %dma_start3A_36 = arith.constant 128 : i32
      %dma_start3A_37 = arith.constant 0 : i32
      %dma_start3A_38 = tpu.memref_slice %arg7[%dma_start3A_36, %dma_start3A_37] : memref<1920x8xf32, #tpu.memory_space<vmem>> -> memref<128x8xf32, #tpu.memory_space<vmem>>
      %dma_start3A_39 = arith.constant 0 : i32
      %dma_start3A_40 = tpu.memref_slice %arg6[%dma_start3A_35, %dma_start3A_39] : memref<15x128xi32, #tpu.memory_space<vmem>> -> memref<1x128xi32, #tpu.memory_space<vmem>>
      %dma_start3A_41 = tpu.memref_squeeze %dma_start3A_40 : memref<1x128xi32, #tpu.memory_space<vmem>> -> memref<128xi32, #tpu.memory_space<vmem>>
      %dma_start3A_42 = arith.constant 0 : i32
      %dma_start3A_43 = arith.constant 0 : i32
      %dma_start3A_44 = tpu.memref_slice %arg8[%dma_start3A_42, %dma_start3A_43] : memref<100000x8xf32, #tpu.memory_space<vmem_shared>> -> memref<100000x8xf32, #tpu.memory_space<vmem_shared>>
      tpu.enqueue_indirect_dma source(%dma_start3A_38 : memref<128x8xf32, #tpu.memory_space<vmem>>) target(%dma_start3A_44 : memref<100000x8xf32, #tpu.memory_space<vmem_shared>>) offsets(%dma_start3A_41 : memref<128xi32, #tpu.memory_space<vmem>>) semaphore(%arg9 : memref<!tpu.dma_semaphore, #tpu.memory_space<semaphore_mem>>) {add = true}
      %dma_start3A_45 = arith.constant 2 : i32
      %dma_start3A_46 = arith.constant 256 : i32
      %dma_start3A_47 = arith.constant 0 : i32
      %dma_start3A_48 = tpu.memref_slice %arg7[%dma_start3A_46, %dma_start3A_47] : memref<1920x8xf32, #tpu.memory_space<vmem>> -> memref<128x8xf32, #tpu.memory_space<vmem>>
      %dma_start3A_49 = arith.constant 0 : i32
      %dma_start3A_50 = tpu.memref_slice %arg6[%dma_start3A_45, %dma_start3A_49] : memref<15x128xi32, #tpu.memory_space<vmem>> -> memref<1x128xi32, #tpu.memory_space<vmem>>
      %dma_start3A_51 = tpu.memref_squeeze %dma_start3A_50 : memref<1x128xi32, #tpu.memory_space<vmem>> -> memref<128xi32, #tpu.memory_space<vmem>>
      %dma_start3A_52 = arith.constant 0 : i32
      %dma_start3A_53 = arith.constant 0 : i32
      %dma_start3A_54 = tpu.memref_slice %arg8[%dma_start3A_52, %dma_start3A_53] : memref<100000x8xf32, #tpu.memory_space<vmem_shared>> -> memref<100000x8xf32, #tpu.memory_space<vmem_shared>>
      tpu.enqueue_indirect_dma source(%dma_start3A_48 : memref<128x8xf32, #tpu.memory_space<vmem>>) target(%dma_start3A_54 : memref<100000x8xf32, #tpu.memory_space<vmem_shared>>) offsets(%dma_start3A_51 : memref<128xi32, #tpu.memory_space<vmem>>) semaphore(%arg9 : memref<!tpu.dma_semaphore, #tpu.memory_space<semaphore_mem>>) {add = true}
      %dma_start3A_55 = arith.constant 3 : i32
      %dma_start3A_56 = arith.constant 384 : i32
      %dma_start3A_57 = arith.constant 0 : i32
      %dma_start3A_58 = tpu.memref_slice %arg7[%dma_start3A_56, %dma_start3A_57] : memref<1920x8xf32, #tpu.memory_space<vmem>> -> memref<128x8xf32, #tpu.memory_space<vmem>>
      %dma_start3A_59 = arith.constant 0 : i32
      %dma_start3A_60 = tpu.memref_slice %arg6[%dma_start3A_55, %dma_start3A_59] : memref<15x128xi32, #tpu.memory_space<vmem>> -> memref<1x128xi32, #tpu.memory_space<vmem>>
      %dma_start3A_61 = tpu.memref_squeeze %dma_start3A_60 : memref<1x128xi32, #tpu.memory_space<vmem>> -> memref<128xi32, #tpu.memory_space<vmem>>
      %dma_start3A_62 = arith.constant 0 : i32
      %dma_start3A_63 = arith.constant 0 : i32
      %dma_start3A_64 = tpu.memref_slice %arg8[%dma_start3A_62, %dma_start3A_63] : memref<100000x8xf32, #tpu.memory_space<vmem_shared>> -> memref<100000x8xf32, #tpu.memory_space<vmem_shared>>
      tpu.enqueue_indirect_dma source(%dma_start3A_58 : memref<128x8xf32, #tpu.memory_space<vmem>>) target(%dma_start3A_64 : memref<100000x8xf32, #tpu.memory_space<vmem_shared>>) offsets(%dma_start3A_61 : memref<128xi32, #tpu.memory_space<vmem>>) semaphore(%arg9 : memref<!tpu.dma_semaphore, #tpu.memory_space<semaphore_mem>>) {add = true}
      %dma_start3A_65 = arith.constant 4 : i32
      %dma_start3A_66 = arith.constant 512 : i32
      %dma_start3A_67 = arith.constant 0 : i32
      %dma_start3A_68 = tpu.memref_slice %arg7[%dma_start3A_66, %dma_start3A_67] : memref<1920x8xf32, #tpu.memory_space<vmem>> -> memref<128x8xf32, #tpu.memory_space<vmem>>
      %dma_start3A_69 = arith.constant 0 : i32
      %dma_start3A_70 = tpu.memref_slice %arg6[%dma_start3A_65, %dma_start3A_69] : memref<15x128xi32, #tpu.memory_space<vmem>> -> memref<1x128xi32, #tpu.memory_space<vmem>>
      %dma_start3A_71 = tpu.memref_squeeze %dma_start3A_70 : memref<1x128xi32, #tpu.memory_space<vmem>> -> memref<128xi32, #tpu.memory_space<vmem>>
      %dma_start3A_72 = arith.constant 0 : i32
      %dma_start3A_73 = arith.constant 0 : i32
      %dma_start3A_74 = tpu.memref_slice %arg8[%dma_start3A_72, %dma_start3A_73] : memref<100000x8xf32, #tpu.memory_space<vmem_shared>> -> memref<100000x8xf32, #tpu.memory_space<vmem_shared>>
      tpu.enqueue_indirect_dma source(%dma_start3A_68 : memref<128x8xf32, #tpu.memory_space<vmem>>) target(%dma_start3A_74 : memref<100000x8xf32, #tpu.memory_space<vmem_shared>>) offsets(%dma_start3A_71 : memref<128xi32, #tpu.memory_space<vmem>>) semaphore(%arg9 : memref<!tpu.dma_semaphore, #tpu.memory_space<semaphore_mem>>) {add = true}
      %dma_start3A_75 = arith.constant 5 : i32
      %dma_start3A_76 = arith.constant 640 : i32
      %dma_start3A_77 = arith.constant 0 : i32
      %dma_start3A_78 = tpu.memref_slice %arg7[%dma_start3A_76, %dma_start3A_77] : memref<1920x8xf32, #tpu.memory_space<vmem>> -> memref<128x8xf32, #tpu.memory_space<vmem>>
      %dma_start3A_79 = arith.constant 0 : i32
      %dma_start3A_80 = tpu.memref_slice %arg6[%dma_start3A_75, %dma_start3A_79] : memref<15x128xi32, #tpu.memory_space<vmem>> -> memref<1x128xi32, #tpu.memory_space<vmem>>
      %dma_start3A_81 = tpu.memref_squeeze %dma_start3A_80 : memref<1x128xi32, #tpu.memory_space<vmem>> -> memref<128xi32, #tpu.memory_space<vmem>>
      %dma_start3A_82 = arith.constant 0 : i32
      %dma_start3A_83 = arith.constant 0 : i32
      %dma_start3A_84 = tpu.memref_slice %arg8[%dma_start3A_82, %dma_start3A_83] : memref<100000x8xf32, #tpu.memory_space<vmem_shared>> -> memref<100000x8xf32, #tpu.memory_space<vmem_shared>>
      tpu.enqueue_indirect_dma source(%dma_start3A_78 : memref<128x8xf32, #tpu.memory_space<vmem>>) target(%dma_start3A_84 : memref<100000x8xf32, #tpu.memory_space<vmem_shared>>) offsets(%dma_start3A_81 : memref<128xi32, #tpu.memory_space<vmem>>) semaphore(%arg9 : memref<!tpu.dma_semaphore, #tpu.memory_space<semaphore_mem>>) {add = true}
      %dma_start3A_85 = arith.constant 6 : i32
      %dma_start3A_86 = arith.constant 768 : i32
      %dma_start3A_87 = arith.constant 0 : i32
      %dma_start3A_88 = tpu.memref_slice %arg7[%dma_start3A_86, %dma_start3A_87] : memref<1920x8xf32, #tpu.memory_space<vmem>> -> memref<128x8xf32, #tpu.memory_space<vmem>>
      %dma_start3A_89 = arith.constant 0 : i32
      %dma_start3A_90 = tpu.memref_slice %arg6[%dma_start3A_85, %dma_start3A_89] : memref<15x128xi32, #tpu.memory_space<vmem>> -> memref<1x128xi32, #tpu.memory_space<vmem>>
      %dma_start3A_91 = tpu.memref_squeeze %dma_start3A_90 : memref<1x128xi32, #tpu.memory_space<vmem>> -> memref<128xi32, #tpu.memory_space<vmem>>
      %dma_start3A_92 = arith.constant 0 : i32
      %dma_start3A_93 = arith.constant 0 : i32
      %dma_start3A_94 = tpu.memref_slice %arg8[%dma_start3A_92, %dma_start3A_93] : memref<100000x8xf32, #tpu.memory_space<vmem_shared>> -> memref<100000x8xf32, #tpu.memory_space<vmem_shared>>
      tpu.enqueue_indirect_dma source(%dma_start3A_88 : memref<128x8xf32, #tpu.memory_space<vmem>>) target(%dma_start3A_94 : memref<100000x8xf32, #tpu.memory_space<vmem_shared>>) offsets(%dma_start3A_91 : memref<128xi32, #tpu.memory_space<vmem>>) semaphore(%arg9 : memref<!tpu.dma_semaphore, #tpu.memory_space<semaphore_mem>>) {add = true}
      %dma_start3A_95 = arith.constant 7 : i32
      %dma_start3A_96 = arith.constant 896 : i32
      %dma_start3A_97 = arith.constant 0 : i32
      %dma_start3A_98 = tpu.memref_slice %arg7[%dma_start3A_96, %dma_start3A_97] : memref<1920x8xf32, #tpu.memory_space<vmem>> -> memref<128x8xf32, #tpu.memory_space<vmem>>
      %dma_start3A_99 = arith.constant 0 : i32
      %dma_start3A_100 = tpu.memref_slice %arg6[%dma_start3A_95, %dma_start3A_99] : memref<15x128xi32, #tpu.memory_space<vmem>> -> memref<1x128xi32, #tpu.memory_space<vmem>>
      %dma_start3A_101 = tpu.memref_squeeze %dma_start3A_100 : memref<1x128xi32, #tpu.memory_space<vmem>> -> memref<128xi32, #tpu.memory_space<vmem>>
      %dma_start3A_102 = arith.constant 0 : i32
      %dma_start3A_103 = arith.constant 0 : i32
      %dma_start3A_104 = tpu.memref_slice %arg8[%dma_start3A_102, %dma_start3A_103] : memref<100000x8xf32, #tpu.memory_space<vmem_shared>> -> memref<100000x8xf32, #tpu.memory_space<vmem_shared>>
      tpu.enqueue_indirect_dma source(%dma_start3A_98 : memref<128x8xf32, #tpu.memory_space<vmem>>) target(%dma_start3A_104 : memref<100000x8xf32, #tpu.memory_space<vmem_shared>>) offsets(%dma_start3A_101 : memref<128xi32, #tpu.memory_space<vmem>>) semaphore(%arg9 : memref<!tpu.dma_semaphore, #tpu.memory_space<semaphore_mem>>) {add = true}
      %dma_start3A_105 = arith.constant 8 : i32
      %dma_start3A_106 = arith.constant 1024 : i32
      %dma_start3A_107 = arith.constant 0 : i32
      %dma_start3A_108 = tpu.memref_slice %arg7[%dma_start3A_106, %dma_start3A_107] : memref<1920x8xf32, #tpu.memory_space<vmem>> -> memref<128x8xf32, #tpu.memory_space<vmem>>
      %dma_start3A_109 = arith.constant 0 : i32
      %dma_start3A_110 = tpu.memref_slice %arg6[%dma_start3A_105, %dma_start3A_109] : memref<15x128xi32, #tpu.memory_space<vmem>> -> memref<1x128xi32, #tpu.memory_space<vmem>>
      %dma_start3A_111 = tpu.memref_squeeze %dma_start3A_110 : memref<1x128xi32, #tpu.memory_space<vmem>> -> memref<128xi32, #tpu.memory_space<vmem>>
      %dma_start3A_112 = arith.constant 0 : i32
      %dma_start3A_113 = arith.constant 0 : i32
      %dma_start3A_114 = tpu.memref_slice %arg8[%dma_start3A_112, %dma_start3A_113] : memref<100000x8xf32, #tpu.memory_space<vmem_shared>> -> memref<100000x8xf32, #tpu.memory_space<vmem_shared>>
      tpu.enqueue_indirect_dma source(%dma_start3A_108 : memref<128x8xf32, #tpu.memory_space<vmem>>) target(%dma_start3A_114 : memref<100000x8xf32, #tpu.memory_space<vmem_shared>>) offsets(%dma_start3A_111 : memref<128xi32, #tpu.memory_space<vmem>>) semaphore(%arg9 : memref<!tpu.dma_semaphore, #tpu.memory_space<semaphore_mem>>) {add = true}
      %dma_start3A_115 = arith.constant 9 : i32
      %dma_start3A_116 = arith.constant 1152 : i32
      %dma_start3A_117 = arith.constant 0 : i32
      %dma_start3A_118 = tpu.memref_slice %arg7[%dma_start3A_116, %dma_start3A_117] : memref<1920x8xf32, #tpu.memory_space<vmem>> -> memref<128x8xf32, #tpu.memory_space<vmem>>
      %dma_start3A_119 = arith.constant 0 : i32
      %dma_start3A_120 = tpu.memref_slice %arg6[%dma_start3A_115, %dma_start3A_119] : memref<15x128xi32, #tpu.memory_space<vmem>> -> memref<1x128xi32, #tpu.memory_space<vmem>>
      %dma_start3A_121 = tpu.memref_squeeze %dma_start3A_120 : memref<1x128xi32, #tpu.memory_space<vmem>> -> memref<128xi32, #tpu.memory_space<vmem>>
      %dma_start3A_122 = arith.constant 0 : i32
      %dma_start3A_123 = arith.constant 0 : i32
      %dma_start3A_124 = tpu.memref_slice %arg8[%dma_start3A_122, %dma_start3A_123] : memref<100000x8xf32, #tpu.memory_space<vmem_shared>> -> memref<100000x8xf32, #tpu.memory_space<vmem_shared>>
      tpu.enqueue_indirect_dma source(%dma_start3A_118 : memref<128x8xf32, #tpu.memory_space<vmem>>) target(%dma_start3A_124 : memref<100000x8xf32, #tpu.memory_space<vmem_shared>>) offsets(%dma_start3A_121 : memref<128xi32, #tpu.memory_space<vmem>>) semaphore(%arg9 : memref<!tpu.dma_semaphore, #tpu.memory_space<semaphore_mem>>) {add = true}
      %dma_start3A_125 = arith.constant 10 : i32
      %dma_start3A_126 = arith.constant 1280 : i32
      %dma_start3A_127 = arith.constant 0 : i32
      %dma_start3A_128 = tpu.memref_slice %arg7[%dma_start3A_126, %dma_start3A_127] : memref<1920x8xf32, #tpu.memory_space<vmem>> -> memref<128x8xf32, #tpu.memory_space<vmem>>
      %dma_start3A_129 = arith.constant 0 : i32
      %dma_start3A_130 = tpu.memref_slice %arg6[%dma_start3A_125, %dma_start3A_129] : memref<15x128xi32, #tpu.memory_space<vmem>> -> memref<1x128xi32, #tpu.memory_space<vmem>>
      %dma_start3A_131 = tpu.memref_squeeze %dma_start3A_130 : memref<1x128xi32, #tpu.memory_space<vmem>> -> memref<128xi32, #tpu.memory_space<vmem>>
      %dma_start3A_132 = arith.constant 0 : i32
      %dma_start3A_133 = arith.constant 0 : i32
      %dma_start3A_134 = tpu.memref_slice %arg8[%dma_start3A_132, %dma_start3A_133] : memref<100000x8xf32, #tpu.memory_space<vmem_shared>> -> memref<100000x8xf32, #tpu.memory_space<vmem_shared>>
      tpu.enqueue_indirect_dma source(%dma_start3A_128 : memref<128x8xf32, #tpu.memory_space<vmem>>) target(%dma_start3A_134 : memref<100000x8xf32, #tpu.memory_space<vmem_shared>>) offsets(%dma_start3A_131 : memref<128xi32, #tpu.memory_space<vmem>>) semaphore(%arg9 : memref<!tpu.dma_semaphore, #tpu.memory_space<semaphore_mem>>) {add = true}
      %dma_start3A_135 = arith.constant 11 : i32
      %dma_start3A_136 = arith.constant 1408 : i32
      %dma_start3A_137 = arith.constant 0 : i32
      %dma_start3A_138 = tpu.memref_slice %arg7[%dma_start3A_136, %dma_start3A_137] : memref<1920x8xf32, #tpu.memory_space<vmem>> -> memref<128x8xf32, #tpu.memory_space<vmem>>
      %dma_start3A_139 = arith.constant 0 : i32
      %dma_start3A_140 = tpu.memref_slice %arg6[%dma_start3A_135, %dma_start3A_139] : memref<15x128xi32, #tpu.memory_space<vmem>> -> memref<1x128xi32, #tpu.memory_space<vmem>>
      %dma_start3A_141 = tpu.memref_squeeze %dma_start3A_140 : memref<1x128xi32, #tpu.memory_space<vmem>> -> memref<128xi32, #tpu.memory_space<vmem>>
      %dma_start3A_142 = arith.constant 0 : i32
      %dma_start3A_143 = arith.constant 0 : i32
      %dma_start3A_144 = tpu.memref_slice %arg8[%dma_start3A_142, %dma_start3A_143] : memref<100000x8xf32, #tpu.memory_space<vmem_shared>> -> memref<100000x8xf32, #tpu.memory_space<vmem_shared>>
      tpu.enqueue_indirect_dma source(%dma_start3A_138 : memref<128x8xf32, #tpu.memory_space<vmem>>) target(%dma_start3A_144 : memref<100000x8xf32, #tpu.memory_space<vmem_shared>>) offsets(%dma_start3A_141 : memref<128xi32, #tpu.memory_space<vmem>>) semaphore(%arg9 : memref<!tpu.dma_semaphore, #tpu.memory_space<semaphore_mem>>) {add = true}
      %dma_start3A_145 = arith.constant 12 : i32
      %dma_start3A_146 = arith.constant 1536 : i32
      %dma_start3A_147 = arith.constant 0 : i32
      %dma_start3A_148 = tpu.memref_slice %arg7[%dma_start3A_146, %dma_start3A_147] : memref<1920x8xf32, #tpu.memory_space<vmem>> -> memref<128x8xf32, #tpu.memory_space<vmem>>
      %dma_start3A_149 = arith.constant 0 : i32
      %dma_start3A_150 = tpu.memref_slice %arg6[%dma_start3A_145, %dma_start3A_149] : memref<15x128xi32, #tpu.memory_space<vmem>> -> memref<1x128xi32, #tpu.memory_space<vmem>>
      %dma_start3A_151 = tpu.memref_squeeze %dma_start3A_150 : memref<1x128xi32, #tpu.memory_space<vmem>> -> memref<128xi32, #tpu.memory_space<vmem>>
      %dma_start3A_152 = arith.constant 0 : i32
      %dma_start3A_153 = arith.constant 0 : i32
      %dma_start3A_154 = tpu.memref_slice %arg8[%dma_start3A_152, %dma_start3A_153] : memref<100000x8xf32, #tpu.memory_space<vmem_shared>> -> memref<100000x8xf32, #tpu.memory_space<vmem_shared>>
      tpu.enqueue_indirect_dma source(%dma_start3A_148 : memref<128x8xf32, #tpu.memory_space<vmem>>) target(%dma_start3A_154 : memref<100000x8xf32, #tpu.memory_space<vmem_shared>>) offsets(%dma_start3A_151 : memref<128xi32, #tpu.memory_space<vmem>>) semaphore(%arg9 : memref<!tpu.dma_semaphore, #tpu.memory_space<semaphore_mem>>) {add = true}
      %dma_start3A_155 = arith.constant 13 : i32
      %dma_start3A_156 = arith.constant 1664 : i32
      %dma_start3A_157 = arith.constant 0 : i32
      %dma_start3A_158 = tpu.memref_slice %arg7[%dma_start3A_156, %dma_start3A_157] : memref<1920x8xf32, #tpu.memory_space<vmem>> -> memref<128x8xf32, #tpu.memory_space<vmem>>
      %dma_start3A_159 = arith.constant 0 : i32
      %dma_start3A_160 = tpu.memref_slice %arg6[%dma_start3A_155, %dma_start3A_159] : memref<15x128xi32, #tpu.memory_space<vmem>> -> memref<1x128xi32, #tpu.memory_space<vmem>>
      %dma_start3A_161 = tpu.memref_squeeze %dma_start3A_160 : memref<1x128xi32, #tpu.memory_space<vmem>> -> memref<128xi32, #tpu.memory_space<vmem>>
      %dma_start3A_162 = arith.constant 0 : i32
      %dma_start3A_163 = arith.constant 0 : i32
      %dma_start3A_164 = tpu.memref_slice %arg8[%dma_start3A_162, %dma_start3A_163] : memref<100000x8xf32, #tpu.memory_space<vmem_shared>> -> memref<100000x8xf32, #tpu.memory_space<vmem_shared>>
      tpu.enqueue_indirect_dma source(%dma_start3A_158 : memref<128x8xf32, #tpu.memory_space<vmem>>) target(%dma_start3A_164 : memref<100000x8xf32, #tpu.memory_space<vmem_shared>>) offsets(%dma_start3A_161 : memref<128xi32, #tpu.memory_space<vmem>>) semaphore(%arg9 : memref<!tpu.dma_semaphore, #tpu.memory_space<semaphore_mem>>) {add = true}
      %dma_start3A_165 = arith.constant 14 : i32
      %dma_start3A_166 = arith.constant 1792 : i32
      %dma_start3A_167 = arith.constant 0 : i32
      %dma_start3A_168 = tpu.memref_slice %arg7[%dma_start3A_166, %dma_start3A_167] : memref<1920x8xf32, #tpu.memory_space<vmem>> -> memref<128x8xf32, #tpu.memory_space<vmem>>
      %dma_start3A_169 = arith.constant 0 : i32
      %dma_start3A_170 = tpu.memref_slice %arg6[%dma_start3A_165, %dma_start3A_169] : memref<15x128xi32, #tpu.memory_space<vmem>> -> memref<1x128xi32, #tpu.memory_space<vmem>>
      %dma_start3A_171 = tpu.memref_squeeze %dma_start3A_170 : memref<1x128xi32, #tpu.memory_space<vmem>> -> memref<128xi32, #tpu.memory_space<vmem>>
      %dma_start3A_172 = arith.constant 0 : i32
      %dma_start3A_173 = arith.constant 0 : i32
      %dma_start3A_174 = tpu.memref_slice %arg8[%dma_start3A_172, %dma_start3A_173] : memref<100000x8xf32, #tpu.memory_space<vmem_shared>> -> memref<100000x8xf32, #tpu.memory_space<vmem_shared>>
      tpu.enqueue_indirect_dma source(%dma_start3A_168 : memref<128x8xf32, #tpu.memory_space<vmem>>) target(%dma_start3A_174 : memref<100000x8xf32, #tpu.memory_space<vmem_shared>>) offsets(%dma_start3A_171 : memref<128xi32, #tpu.memory_space<vmem>>) semaphore(%arg9 : memref<!tpu.dma_semaphore, #tpu.memory_space<semaphore_mem>>) {add = true}
      %dma_wait3A = arith.constant 0 : i32
      %dma_wait3A_175 = arith.constant 0 : i32
      %dma_wait3A_176 = arith.constant 0 : i32
      %dma_wait3A_177 = tpu.memref_slice %arg7[%dma_wait3A_175, %dma_wait3A_176] : memref<1920x8xf32, #tpu.memory_space<vmem>> -> memref<128x8xf32, #tpu.memory_space<vmem>>
      %dma_wait3A_178 = arith.constant 0 : i32
      %dma_wait3A_179 = tpu.memref_slice %arg6[%dma_wait3A, %dma_wait3A_178] : memref<15x128xi32, #tpu.memory_space<vmem>> -> memref<1x128xi32, #tpu.memory_space<vmem>>
      %dma_wait3A_180 = tpu.memref_squeeze %dma_wait3A_179 : memref<1x128xi32, #tpu.memory_space<vmem>> -> memref<128xi32, #tpu.memory_space<vmem>>
      %dma_wait3A_181 = arith.constant 0 : i32
      %dma_wait3A_182 = arith.constant 0 : i32
      %dma_wait3A_183 = tpu.memref_slice %arg8[%dma_wait3A_181, %dma_wait3A_182] : memref<100000x8xf32, #tpu.memory_space<vmem_shared>> -> memref<100000x8xf32, #tpu.memory_space<vmem_shared>>
      tpu.wait_indirect_dma semaphore(%arg9 : memref<!tpu.dma_semaphore, #tpu.memory_space<semaphore_mem>>) src(%dma_wait3A_177 : memref<128x8xf32, #tpu.memory_space<vmem>>) dst(%dma_wait3A_183 : memref<100000x8xf32, #tpu.memory_space<vmem_shared>>)
      %dma_wait3A_184 = arith.constant 1 : i32
      %dma_wait3A_185 = arith.constant 128 : i32
      %dma_wait3A_186 = arith.constant 0 : i32
      %dma_wait3A_187 = tpu.memref_slice %arg7[%dma_wait3A_185, %dma_wait3A_186] : memref<1920x8xf32, #tpu.memory_space<vmem>> -> memref<128x8xf32, #tpu.memory_space<vmem>>
      %dma_wait3A_188 = arith.constant 0 : i32
      %dma_wait3A_189 = tpu.memref_slice %arg6[%dma_wait3A_184, %dma_wait3A_188] : memref<15x128xi32, #tpu.memory_space<vmem>> -> memref<1x128xi32, #tpu.memory_space<vmem>>
      %dma_wait3A_190 = tpu.memref_squeeze %dma_wait3A_189 : memref<1x128xi32, #tpu.memory_space<vmem>> -> memref<128xi32, #tpu.memory_space<vmem>>
      %dma_wait3A_191 = arith.constant 0 : i32
      %dma_wait3A_192 = arith.constant 0 : i32
      %dma_wait3A_193 = tpu.memref_slice %arg8[%dma_wait3A_191, %dma_wait3A_192] : memref<100000x8xf32, #tpu.memory_space<vmem_shared>> -> memref<100000x8xf32, #tpu.memory_space<vmem_shared>>
      tpu.wait_indirect_dma semaphore(%arg9 : memref<!tpu.dma_semaphore, #tpu.memory_space<semaphore_mem>>) src(%dma_wait3A_187 : memref<128x8xf32, #tpu.memory_space<vmem>>) dst(%dma_wait3A_193 : memref<100000x8xf32, #tpu.memory_space<vmem_shared>>)
      %dma_wait3A_194 = arith.constant 2 : i32
      %dma_wait3A_195 = arith.constant 256 : i32
      %dma_wait3A_196 = arith.constant 0 : i32
      %dma_wait3A_197 = tpu.memref_slice %arg7[%dma_wait3A_195, %dma_wait3A_196] : memref<1920x8xf32, #tpu.memory_space<vmem>> -> memref<128x8xf32, #tpu.memory_space<vmem>>
      %dma_wait3A_198 = arith.constant 0 : i32
      %dma_wait3A_199 = tpu.memref_slice %arg6[%dma_wait3A_194, %dma_wait3A_198] : memref<15x128xi32, #tpu.memory_space<vmem>> -> memref<1x128xi32, #tpu.memory_space<vmem>>
      %dma_wait3A_200 = tpu.memref_squeeze %dma_wait3A_199 : memref<1x128xi32, #tpu.memory_space<vmem>> -> memref<128xi32, #tpu.memory_space<vmem>>
      %dma_wait3A_201 = arith.constant 0 : i32
      %dma_wait3A_202 = arith.constant 0 : i32
      %dma_wait3A_203 = tpu.memref_slice %arg8[%dma_wait3A_201, %dma_wait3A_202] : memref<100000x8xf32, #tpu.memory_space<vmem_shared>> -> memref<100000x8xf32, #tpu.memory_space<vmem_shared>>
      tpu.wait_indirect_dma semaphore(%arg9 : memref<!tpu.dma_semaphore, #tpu.memory_space<semaphore_mem>>) src(%dma_wait3A_197 : memref<128x8xf32, #tpu.memory_space<vmem>>) dst(%dma_wait3A_203 : memref<100000x8xf32, #tpu.memory_space<vmem_shared>>)
      %dma_wait3A_204 = arith.constant 3 : i32
      %dma_wait3A_205 = arith.constant 384 : i32
      %dma_wait3A_206 = arith.constant 0 : i32
      %dma_wait3A_207 = tpu.memref_slice %arg7[%dma_wait3A_205, %dma_wait3A_206] : memref<1920x8xf32, #tpu.memory_space<vmem>> -> memref<128x8xf32, #tpu.memory_space<vmem>>
      %dma_wait3A_208 = arith.constant 0 : i32
      %dma_wait3A_209 = tpu.memref_slice %arg6[%dma_wait3A_204, %dma_wait3A_208] : memref<15x128xi32, #tpu.memory_space<vmem>> -> memref<1x128xi32, #tpu.memory_space<vmem>>
      %dma_wait3A_210 = tpu.memref_squeeze %dma_wait3A_209 : memref<1x128xi32, #tpu.memory_space<vmem>> -> memref<128xi32, #tpu.memory_space<vmem>>
      %dma_wait3A_211 = arith.constant 0 : i32
      %dma_wait3A_212 = arith.constant 0 : i32
      %dma_wait3A_213 = tpu.memref_slice %arg8[%dma_wait3A_211, %dma_wait3A_212] : memref<100000x8xf32, #tpu.memory_space<vmem_shared>> -> memref<100000x8xf32, #tpu.memory_space<vmem_shared>>
      tpu.wait_indirect_dma semaphore(%arg9 : memref<!tpu.dma_semaphore, #tpu.memory_space<semaphore_mem>>) src(%dma_wait3A_207 : memref<128x8xf32, #tpu.memory_space<vmem>>) dst(%dma_wait3A_213 : memref<100000x8xf32, #tpu.memory_space<vmem_shared>>)
      %dma_wait3A_214 = arith.constant 4 : i32
      %dma_wait3A_215 = arith.constant 512 : i32
      %dma_wait3A_216 = arith.constant 0 : i32
      %dma_wait3A_217 = tpu.memref_slice %arg7[%dma_wait3A_215, %dma_wait3A_216] : memref<1920x8xf32, #tpu.memory_space<vmem>> -> memref<128x8xf32, #tpu.memory_space<vmem>>
      %dma_wait3A_218 = arith.constant 0 : i32
      %dma_wait3A_219 = tpu.memref_slice %arg6[%dma_wait3A_214, %dma_wait3A_218] : memref<15x128xi32, #tpu.memory_space<vmem>> -> memref<1x128xi32, #tpu.memory_space<vmem>>
      %dma_wait3A_220 = tpu.memref_squeeze %dma_wait3A_219 : memref<1x128xi32, #tpu.memory_space<vmem>> -> memref<128xi32, #tpu.memory_space<vmem>>
      %dma_wait3A_221 = arith.constant 0 : i32
      %dma_wait3A_222 = arith.constant 0 : i32
      %dma_wait3A_223 = tpu.memref_slice %arg8[%dma_wait3A_221, %dma_wait3A_222] : memref<100000x8xf32, #tpu.memory_space<vmem_shared>> -> memref<100000x8xf32, #tpu.memory_space<vmem_shared>>
      tpu.wait_indirect_dma semaphore(%arg9 : memref<!tpu.dma_semaphore, #tpu.memory_space<semaphore_mem>>) src(%dma_wait3A_217 : memref<128x8xf32, #tpu.memory_space<vmem>>) dst(%dma_wait3A_223 : memref<100000x8xf32, #tpu.memory_space<vmem_shared>>)
      %dma_wait3A_224 = arith.constant 5 : i32
      %dma_wait3A_225 = arith.constant 640 : i32
      %dma_wait3A_226 = arith.constant 0 : i32
      %dma_wait3A_227 = tpu.memref_slice %arg7[%dma_wait3A_225, %dma_wait3A_226] : memref<1920x8xf32, #tpu.memory_space<vmem>> -> memref<128x8xf32, #tpu.memory_space<vmem>>
      %dma_wait3A_228 = arith.constant 0 : i32
      %dma_wait3A_229 = tpu.memref_slice %arg6[%dma_wait3A_224, %dma_wait3A_228] : memref<15x128xi32, #tpu.memory_space<vmem>> -> memref<1x128xi32, #tpu.memory_space<vmem>>
      %dma_wait3A_230 = tpu.memref_squeeze %dma_wait3A_229 : memref<1x128xi32, #tpu.memory_space<vmem>> -> memref<128xi32, #tpu.memory_space<vmem>>
      %dma_wait3A_231 = arith.constant 0 : i32
      %dma_wait3A_232 = arith.constant 0 : i32
      %dma_wait3A_233 = tpu.memref_slice %arg8[%dma_wait3A_231, %dma_wait3A_232] : memref<100000x8xf32, #tpu.memory_space<vmem_shared>> -> memref<100000x8xf32, #tpu.memory_space<vmem_shared>>
      tpu.wait_indirect_dma semaphore(%arg9 : memref<!tpu.dma_semaphore, #tpu.memory_space<semaphore_mem>>) src(%dma_wait3A_227 : memref<128x8xf32, #tpu.memory_space<vmem>>) dst(%dma_wait3A_233 : memref<100000x8xf32, #tpu.memory_space<vmem_shared>>)
      %dma_wait3A_234 = arith.constant 6 : i32
      %dma_wait3A_235 = arith.constant 768 : i32
      %dma_wait3A_236 = arith.constant 0 : i32
      %dma_wait3A_237 = tpu.memref_slice %arg7[%dma_wait3A_235, %dma_wait3A_236] : memref<1920x8xf32, #tpu.memory_space<vmem>> -> memref<128x8xf32, #tpu.memory_space<vmem>>
      %dma_wait3A_238 = arith.constant 0 : i32
      %dma_wait3A_239 = tpu.memref_slice %arg6[%dma_wait3A_234, %dma_wait3A_238] : memref<15x128xi32, #tpu.memory_space<vmem>> -> memref<1x128xi32, #tpu.memory_space<vmem>>
      %dma_wait3A_240 = tpu.memref_squeeze %dma_wait3A_239 : memref<1x128xi32, #tpu.memory_space<vmem>> -> memref<128xi32, #tpu.memory_space<vmem>>
      %dma_wait3A_241 = arith.constant 0 : i32
      %dma_wait3A_242 = arith.constant 0 : i32
      %dma_wait3A_243 = tpu.memref_slice %arg8[%dma_wait3A_241, %dma_wait3A_242] : memref<100000x8xf32, #tpu.memory_space<vmem_shared>> -> memref<100000x8xf32, #tpu.memory_space<vmem_shared>>
      tpu.wait_indirect_dma semaphore(%arg9 : memref<!tpu.dma_semaphore, #tpu.memory_space<semaphore_mem>>) src(%dma_wait3A_237 : memref<128x8xf32, #tpu.memory_space<vmem>>) dst(%dma_wait3A_243 : memref<100000x8xf32, #tpu.memory_space<vmem_shared>>)
      %dma_wait3A_244 = arith.constant 7 : i32
      %dma_wait3A_245 = arith.constant 896 : i32
      %dma_wait3A_246 = arith.constant 0 : i32
      %dma_wait3A_247 = tpu.memref_slice %arg7[%dma_wait3A_245, %dma_wait3A_246] : memref<1920x8xf32, #tpu.memory_space<vmem>> -> memref<128x8xf32, #tpu.memory_space<vmem>>
      %dma_wait3A_248 = arith.constant 0 : i32
      %dma_wait3A_249 = tpu.memref_slice %arg6[%dma_wait3A_244, %dma_wait3A_248] : memref<15x128xi32, #tpu.memory_space<vmem>> -> memref<1x128xi32, #tpu.memory_space<vmem>>
      %dma_wait3A_250 = tpu.memref_squeeze %dma_wait3A_249 : memref<1x128xi32, #tpu.memory_space<vmem>> -> memref<128xi32, #tpu.memory_space<vmem>>
      %dma_wait3A_251 = arith.constant 0 : i32
      %dma_wait3A_252 = arith.constant 0 : i32
      %dma_wait3A_253 = tpu.memref_slice %arg8[%dma_wait3A_251, %dma_wait3A_252] : memref<100000x8xf32, #tpu.memory_space<vmem_shared>> -> memref<100000x8xf32, #tpu.memory_space<vmem_shared>>
      tpu.wait_indirect_dma semaphore(%arg9 : memref<!tpu.dma_semaphore, #tpu.memory_space<semaphore_mem>>) src(%dma_wait3A_247 : memref<128x8xf32, #tpu.memory_space<vmem>>) dst(%dma_wait3A_253 : memref<100000x8xf32, #tpu.memory_space<vmem_shared>>)
      %dma_wait3A_254 = arith.constant 8 : i32
      %dma_wait3A_255 = arith.constant 1024 : i32
      %dma_wait3A_256 = arith.constant 0 : i32
      %dma_wait3A_257 = tpu.memref_slice %arg7[%dma_wait3A_255, %dma_wait3A_256] : memref<1920x8xf32, #tpu.memory_space<vmem>> -> memref<128x8xf32, #tpu.memory_space<vmem>>
      %dma_wait3A_258 = arith.constant 0 : i32
      %dma_wait3A_259 = tpu.memref_slice %arg6[%dma_wait3A_254, %dma_wait3A_258] : memref<15x128xi32, #tpu.memory_space<vmem>> -> memref<1x128xi32, #tpu.memory_space<vmem>>
      %dma_wait3A_260 = tpu.memref_squeeze %dma_wait3A_259 : memref<1x128xi32, #tpu.memory_space<vmem>> -> memref<128xi32, #tpu.memory_space<vmem>>
      %dma_wait3A_261 = arith.constant 0 : i32
      %dma_wait3A_262 = arith.constant 0 : i32
      %dma_wait3A_263 = tpu.memref_slice %arg8[%dma_wait3A_261, %dma_wait3A_262] : memref<100000x8xf32, #tpu.memory_space<vmem_shared>> -> memref<100000x8xf32, #tpu.memory_space<vmem_shared>>
      tpu.wait_indirect_dma semaphore(%arg9 : memref<!tpu.dma_semaphore, #tpu.memory_space<semaphore_mem>>) src(%dma_wait3A_257 : memref<128x8xf32, #tpu.memory_space<vmem>>) dst(%dma_wait3A_263 : memref<100000x8xf32, #tpu.memory_space<vmem_shared>>)
      %dma_wait3A_264 = arith.constant 9 : i32
      %dma_wait3A_265 = arith.constant 1152 : i32
      %dma_wait3A_266 = arith.constant 0 : i32
      %dma_wait3A_267 = tpu.memref_slice %arg7[%dma_wait3A_265, %dma_wait3A_266] : memref<1920x8xf32, #tpu.memory_space<vmem>> -> memref<128x8xf32, #tpu.memory_space<vmem>>
      %dma_wait3A_268 = arith.constant 0 : i32
      %dma_wait3A_269 = tpu.memref_slice %arg6[%dma_wait3A_264, %dma_wait3A_268] : memref<15x128xi32, #tpu.memory_space<vmem>> -> memref<1x128xi32, #tpu.memory_space<vmem>>
      %dma_wait3A_270 = tpu.memref_squeeze %dma_wait3A_269 : memref<1x128xi32, #tpu.memory_space<vmem>> -> memref<128xi32, #tpu.memory_space<vmem>>
      %dma_wait3A_271 = arith.constant 0 : i32
      %dma_wait3A_272 = arith.constant 0 : i32
      %dma_wait3A_273 = tpu.memref_slice %arg8[%dma_wait3A_271, %dma_wait3A_272] : memref<100000x8xf32, #tpu.memory_space<vmem_shared>> -> memref<100000x8xf32, #tpu.memory_space<vmem_shared>>
      tpu.wait_indirect_dma semaphore(%arg9 : memref<!tpu.dma_semaphore, #tpu.memory_space<semaphore_mem>>) src(%dma_wait3A_267 : memref<128x8xf32, #tpu.memory_space<vmem>>) dst(%dma_wait3A_273 : memref<100000x8xf32, #tpu.memory_space<vmem_shared>>)
      %dma_wait3A_274 = arith.constant 10 : i32
      %dma_wait3A_275 = arith.constant 1280 : i32
      %dma_wait3A_276 = arith.constant 0 : i32
      %dma_wait3A_277 = tpu.memref_slice %arg7[%dma_wait3A_275, %dma_wait3A_276] : memref<1920x8xf32, #tpu.memory_space<vmem>> -> memref<128x8xf32, #tpu.memory_space<vmem>>
      %dma_wait3A_278 = arith.constant 0 : i32
      %dma_wait3A_279 = tpu.memref_slice %arg6[%dma_wait3A_274, %dma_wait3A_278] : memref<15x128xi32, #tpu.memory_space<vmem>> -> memref<1x128xi32, #tpu.memory_space<vmem>>
      %dma_wait3A_280 = tpu.memref_squeeze %dma_wait3A_279 : memref<1x128xi32, #tpu.memory_space<vmem>> -> memref<128xi32, #tpu.memory_space<vmem>>
      %dma_wait3A_281 = arith.constant 0 : i32
      %dma_wait3A_282 = arith.constant 0 : i32
      %dma_wait3A_283 = tpu.memref_slice %arg8[%dma_wait3A_281, %dma_wait3A_282] : memref<100000x8xf32, #tpu.memory_space<vmem_shared>> -> memref<100000x8xf32, #tpu.memory_space<vmem_shared>>
      tpu.wait_indirect_dma semaphore(%arg9 : memref<!tpu.dma_semaphore, #tpu.memory_space<semaphore_mem>>) src(%dma_wait3A_277 : memref<128x8xf32, #tpu.memory_space<vmem>>) dst(%dma_wait3A_283 : memref<100000x8xf32, #tpu.memory_space<vmem_shared>>)
      %dma_wait3A_284 = arith.constant 11 : i32
      %dma_wait3A_285 = arith.constant 1408 : i32
      %dma_wait3A_286 = arith.constant 0 : i32
      %dma_wait3A_287 = tpu.memref_slice %arg7[%dma_wait3A_285, %dma_wait3A_286] : memref<1920x8xf32, #tpu.memory_space<vmem>> -> memref<128x8xf32, #tpu.memory_space<vmem>>
      %dma_wait3A_288 = arith.constant 0 : i32
      %dma_wait3A_289 = tpu.memref_slice %arg6[%dma_wait3A_284, %dma_wait3A_288] : memref<15x128xi32, #tpu.memory_space<vmem>> -> memref<1x128xi32, #tpu.memory_space<vmem>>
      %dma_wait3A_290 = tpu.memref_squeeze %dma_wait3A_289 : memref<1x128xi32, #tpu.memory_space<vmem>> -> memref<128xi32, #tpu.memory_space<vmem>>
      %dma_wait3A_291 = arith.constant 0 : i32
      %dma_wait3A_292 = arith.constant 0 : i32
      %dma_wait3A_293 = tpu.memref_slice %arg8[%dma_wait3A_291, %dma_wait3A_292] : memref<100000x8xf32, #tpu.memory_space<vmem_shared>> -> memref<100000x8xf32, #tpu.memory_space<vmem_shared>>
      tpu.wait_indirect_dma semaphore(%arg9 : memref<!tpu.dma_semaphore, #tpu.memory_space<semaphore_mem>>) src(%dma_wait3A_287 : memref<128x8xf32, #tpu.memory_space<vmem>>) dst(%dma_wait3A_293 : memref<100000x8xf32, #tpu.memory_space<vmem_shared>>)
      %dma_wait3A_294 = arith.constant 12 : i32
      %dma_wait3A_295 = arith.constant 1536 : i32
      %dma_wait3A_296 = arith.constant 0 : i32
      %dma_wait3A_297 = tpu.memref_slice %arg7[%dma_wait3A_295, %dma_wait3A_296] : memref<1920x8xf32, #tpu.memory_space<vmem>> -> memref<128x8xf32, #tpu.memory_space<vmem>>
      %dma_wait3A_298 = arith.constant 0 : i32
      %dma_wait3A_299 = tpu.memref_slice %arg6[%dma_wait3A_294, %dma_wait3A_298] : memref<15x128xi32, #tpu.memory_space<vmem>> -> memref<1x128xi32, #tpu.memory_space<vmem>>
      %dma_wait3A_300 = tpu.memref_squeeze %dma_wait3A_299 : memref<1x128xi32, #tpu.memory_space<vmem>> -> memref<128xi32, #tpu.memory_space<vmem>>
      %dma_wait3A_301 = arith.constant 0 : i32
      %dma_wait3A_302 = arith.constant 0 : i32
      %dma_wait3A_303 = tpu.memref_slice %arg8[%dma_wait3A_301, %dma_wait3A_302] : memref<100000x8xf32, #tpu.memory_space<vmem_shared>> -> memref<100000x8xf32, #tpu.memory_space<vmem_shared>>
      tpu.wait_indirect_dma semaphore(%arg9 : memref<!tpu.dma_semaphore, #tpu.memory_space<semaphore_mem>>) src(%dma_wait3A_297 : memref<128x8xf32, #tpu.memory_space<vmem>>) dst(%dma_wait3A_303 : memref<100000x8xf32, #tpu.memory_space<vmem_shared>>)
      %dma_wait3A_304 = arith.constant 13 : i32
      %dma_wait3A_305 = arith.constant 1664 : i32
      %dma_wait3A_306 = arith.constant 0 : i32
      %dma_wait3A_307 = tpu.memref_slice %arg7[%dma_wait3A_305, %dma_wait3A_306] : memref<1920x8xf32, #tpu.memory_space<vmem>> -> memref<128x8xf32, #tpu.memory_space<vmem>>
      %dma_wait3A_308 = arith.constant 0 : i32
      %dma_wait3A_309 = tpu.memref_slice %arg6[%dma_wait3A_304, %dma_wait3A_308] : memref<15x128xi32, #tpu.memory_space<vmem>> -> memref<1x128xi32, #tpu.memory_space<vmem>>
      %dma_wait3A_310 = tpu.memref_squeeze %dma_wait3A_309 : memref<1x128xi32, #tpu.memory_space<vmem>> -> memref<128xi32, #tpu.memory_space<vmem>>
      %dma_wait3A_311 = arith.constant 0 : i32
      %dma_wait3A_312 = arith.constant 0 : i32
      %dma_wait3A_313 = tpu.memref_slice %arg8[%dma_wait3A_311, %dma_wait3A_312] : memref<100000x8xf32, #tpu.memory_space<vmem_shared>> -> memref<100000x8xf32, #tpu.memory_space<vmem_shared>>
      tpu.wait_indirect_dma semaphore(%arg9 : memref<!tpu.dma_semaphore, #tpu.memory_space<semaphore_mem>>) src(%dma_wait3A_307 : memref<128x8xf32, #tpu.memory_space<vmem>>) dst(%dma_wait3A_313 : memref<100000x8xf32, #tpu.memory_space<vmem_shared>>)
      %dma_wait3A_314 = arith.constant 14 : i32
      %dma_wait3A_315 = arith.constant 1792 : i32
      %dma_wait3A_316 = arith.constant 0 : i32
      %dma_wait3A_317 = tpu.memref_slice %arg7[%dma_wait3A_315, %dma_wait3A_316] : memref<1920x8xf32, #tpu.memory_space<vmem>> -> memref<128x8xf32, #tpu.memory_space<vmem>>
      %dma_wait3A_318 = arith.constant 0 : i32
      %dma_wait3A_319 = tpu.memref_slice %arg6[%dma_wait3A_314, %dma_wait3A_318] : memref<15x128xi32, #tpu.memory_space<vmem>> -> memref<1x128xi32, #tpu.memory_space<vmem>>
      %dma_wait3A_320 = tpu.memref_squeeze %dma_wait3A_319 : memref<1x128xi32, #tpu.memory_space<vmem>> -> memref<128xi32, #tpu.memory_space<vmem>>
      %dma_wait3A_321 = arith.constant 0 : i32
      %dma_wait3A_322 = arith.constant 0 : i32
      %dma_wait3A_323 = tpu.memref_slice %arg8[%dma_wait3A_321, %dma_wait3A_322] : memref<100000x8xf32, #tpu.memory_space<vmem_shared>> -> memref<100000x8xf32, #tpu.memory_space<vmem_shared>>
      tpu.wait_indirect_dma semaphore(%arg9 : memref<!tpu.dma_semaphore, #tpu.memory_space<semaphore_mem>>) src(%dma_wait3A_317 : memref<128x8xf32, #tpu.memory_space<vmem>>) dst(%dma_wait3A_323 : memref<100000x8xf32, #tpu.memory_space<vmem_shared>>)
    }
    %scan3A_9 = arith.constant 26 : i32
    %lt3A = arith.constant 20 : i32
    %lt3A_10 = arith.cmpi slt, %add3A, %lt3A : i32
    %convert_element_type3A_11 = arith.extui %lt3A_10 : i1 to i32
    %cond3A_12 = arith.constant 0 : i32
    %cond3A_13 = arith.cmpi ne, %convert_element_type3A_11, %cond3A_12 : i32
    scf.if %cond3A_13 {
      %add3A_20 = arith.constant 12480 : i32
      %add3A_21 = arith.addi %add3A_20, %add3A : i32
      "tpu.region"() ({
        %run_scoped3A = tpu.sem_alloc : memref<!tpu.dma_semaphore, #tpu.memory_space<semaphore_mem>>
        %dma_start3A_42 = arith.constant 0 : i32
        %dma_start3A_43 = arith.constant 0 : i32
        %dma_start3A_44 = tpu.memref_slice %arg6[%dma_start3A_42, %dma_start3A_43] : memref<15x128xi32, #tpu.memory_space<vmem>> -> memref<1x128xi32, #tpu.memory_space<vmem>>
        %dma_start3A_45 = arith.constant 0 : i32
        %dma_start3A_46 = tpu.memref_slice %arg2[%add3A_21, %dma_start3A_45] : memref<12500x128xi32, #tpu.memory_space<hbm>> -> memref<1x128xi32, #tpu.memory_space<hbm>>
        %dma_start3A_47 = arith.constant 0 : i32
        %dma_start3A_48 = arith.constant 0 : i32
        %dma_start3A_49 = tpu.memref_slice %arg6[%dma_start3A_47, %dma_start3A_48] : memref<15x128xi32, #tpu.memory_space<vmem>> -> memref<1x128xi32, #tpu.memory_space<vmem>>
        %dma_start3A_50 = arith.constant 0 : i32
        %dma_start3A_51 = tpu.memref_slice %arg2[%add3A_21, %dma_start3A_50] : memref<12500x128xi32, #tpu.memory_space<hbm>> -> memref<1x128xi32, #tpu.memory_space<hbm>>
        tpu.enqueue_dma source(%dma_start3A_51 : memref<1x128xi32, #tpu.memory_space<hbm>>) target(%dma_start3A_49 : memref<1x128xi32, #tpu.memory_space<vmem>>) target_semaphore(%run_scoped3A : memref<!tpu.dma_semaphore, #tpu.memory_space<semaphore_mem>>)
        %dma_wait3A_52 = arith.constant 0 : i32
        %dma_wait3A_53 = arith.constant 0 : i32
        %dma_wait3A_54 = tpu.memref_slice %arg6[%dma_wait3A_52, %dma_wait3A_53] : memref<15x128xi32, #tpu.memory_space<vmem>> -> memref<1x128xi32, #tpu.memory_space<vmem>>
        %dma_wait3A_55 = arith.constant 0 : i32
        %dma_wait3A_56 = tpu.memref_slice %arg2[%add3A_21, %dma_wait3A_55] : memref<12500x128xi32, #tpu.memory_space<hbm>> -> memref<1x128xi32, #tpu.memory_space<hbm>>
        %dma_wait3A_57 = arith.constant 0 : i32
        %dma_wait3A_58 = arith.constant 0 : i32
        %dma_wait3A_59 = tpu.memref_slice %arg6[%dma_wait3A_57, %dma_wait3A_58] : memref<15x128xi32, #tpu.memory_space<vmem>> -> memref<1x128xi32, #tpu.memory_space<vmem>>
        %dma_wait3A_60 = arith.constant 0 : i32
        %dma_wait3A_61 = tpu.memref_slice %arg2[%add3A_21, %dma_wait3A_60] : memref<12500x128xi32, #tpu.memory_space<hbm>> -> memref<1x128xi32, #tpu.memory_space<hbm>>
        tpu.wait_dma2 semaphore(%run_scoped3A : memref<!tpu.dma_semaphore, #tpu.memory_space<semaphore_mem>>) src(%dma_wait3A_61 : memref<1x128xi32, #tpu.memory_space<hbm>>) dst(%dma_wait3A_59 : memref<1x128xi32, #tpu.memory_space<vmem>>)
        tpu.yield
      }) : () -> ()
      %mul3A_22 = arith.constant 128 : i32
      %mul3A_23 = arith.muli %add3A_21, %mul3A_22 : i32
      "tpu.region"() ({
        %run_scoped3A = tpu.sem_alloc : memref<!tpu.dma_semaphore, #tpu.memory_space<semaphore_mem>>
        %dma_start3A_42 = arith.constant 0 : i32
        %dma_start3A_43 = arith.constant 0 : i32
        %dma_start3A_44 = tpu.memref_slice %arg7[%dma_start3A_42, %dma_start3A_43] : memref<1920x8xf32, #tpu.memory_space<vmem>> -> memref<128x8xf32, #tpu.memory_space<vmem>>
        %dma_start3A_45 = arith.constant 0 : i32
        %dma_start3A_46 = tpu.memref_slice %arg3[%mul3A_23, %dma_start3A_45] : memref<1600000x8xf32, #tpu.memory_space<hbm>> -> memref<128x8xf32, #tpu.memory_space<hbm>>
        %dma_start3A_47 = arith.constant 0 : i32
        %dma_start3A_48 = arith.constant 0 : i32
        %dma_start3A_49 = tpu.memref_slice %arg7[%dma_start3A_47, %dma_start3A_48] : memref<1920x8xf32, #tpu.memory_space<vmem>> -> memref<128x8xf32, #tpu.memory_space<vmem>>
        %dma_start3A_50 = arith.constant 0 : i32
        %dma_start3A_51 = tpu.memref_slice %arg3[%mul3A_23, %dma_start3A_50] : memref<1600000x8xf32, #tpu.memory_space<hbm>> -> memref<128x8xf32, #tpu.memory_space<hbm>>
        tpu.enqueue_dma source(%dma_start3A_51 : memref<128x8xf32, #tpu.memory_space<hbm>>) target(%dma_start3A_49 : memref<128x8xf32, #tpu.memory_space<vmem>>) target_semaphore(%run_scoped3A : memref<!tpu.dma_semaphore, #tpu.memory_space<semaphore_mem>>)
        %dma_wait3A_52 = arith.constant 0 : i32
        %dma_wait3A_53 = arith.constant 0 : i32
        %dma_wait3A_54 = tpu.memref_slice %arg7[%dma_wait3A_52, %dma_wait3A_53] : memref<1920x8xf32, #tpu.memory_space<vmem>> -> memref<128x8xf32, #tpu.memory_space<vmem>>
        %dma_wait3A_55 = arith.constant 0 : i32
        %dma_wait3A_56 = tpu.memref_slice %arg3[%mul3A_23, %dma_wait3A_55] : memref<1600000x8xf32, #tpu.memory_space<hbm>> -> memref<128x8xf32, #tpu.memory_space<hbm>>
        %dma_wait3A_57 = arith.constant 0 : i32
        %dma_wait3A_58 = arith.constant 0 : i32
        %dma_wait3A_59 = tpu.memref_slice %arg7[%dma_wait3A_57, %dma_wait3A_58] : memref<1920x8xf32, #tpu.memory_space<vmem>> -> memref<128x8xf32, #tpu.memory_space<vmem>>
        %dma_wait3A_60 = arith.constant 0 : i32
        %dma_wait3A_61 = tpu.memref_slice %arg3[%mul3A_23, %dma_wait3A_60] : memref<1600000x8xf32, #tpu.memory_space<hbm>> -> memref<128x8xf32, #tpu.memory_space<hbm>>
        tpu.wait_dma2 semaphore(%run_scoped3A : memref<!tpu.dma_semaphore, #tpu.memory_space<semaphore_mem>>) src(%dma_wait3A_61 : memref<128x8xf32, #tpu.memory_space<hbm>>) dst(%dma_wait3A_59 : memref<128x8xf32, #tpu.memory_space<vmem>>)
        tpu.yield
      }) : () -> ()
      %dma_start3A = arith.constant 0 : i32
      %dma_start3A_24 = arith.constant 0 : i32
      %dma_start3A_25 = arith.constant 0 : i32
      %dma_start3A_26 = tpu.memref_slice %arg7[%dma_start3A_24, %dma_start3A_25] : memref<1920x8xf32, #tpu.memory_space<vmem>> -> memref<128x8xf32, #tpu.memory_space<vmem>>
      %dma_start3A_27 = arith.constant 0 : i32
      %dma_start3A_28 = tpu.memref_slice %arg6[%dma_start3A, %dma_start3A_27] : memref<15x128xi32, #tpu.memory_space<vmem>> -> memref<1x128xi32, #tpu.memory_space<vmem>>
      %dma_start3A_29 = tpu.memref_squeeze %dma_start3A_28 : memref<1x128xi32, #tpu.memory_space<vmem>> -> memref<128xi32, #tpu.memory_space<vmem>>
      %dma_start3A_30 = arith.constant 0 : i32
      %dma_start3A_31 = arith.constant 0 : i32
      %dma_start3A_32 = tpu.memref_slice %arg8[%dma_start3A_30, %dma_start3A_31] : memref<100000x8xf32, #tpu.memory_space<vmem_shared>> -> memref<100000x8xf32, #tpu.memory_space<vmem_shared>>
      tpu.enqueue_indirect_dma source(%dma_start3A_26 : memref<128x8xf32, #tpu.memory_space<vmem>>) target(%dma_start3A_32 : memref<100000x8xf32, #tpu.memory_space<vmem_shared>>) offsets(%dma_start3A_29 : memref<128xi32, #tpu.memory_space<vmem>>) semaphore(%arg9 : memref<!tpu.dma_semaphore, #tpu.memory_space<semaphore_mem>>) {add = true}
      %dma_wait3A = arith.constant 0 : i32
      %dma_wait3A_33 = arith.constant 0 : i32
      %dma_wait3A_34 = arith.constant 0 : i32
      %dma_wait3A_35 = tpu.memref_slice %arg7[%dma_wait3A_33, %dma_wait3A_34] : memref<1920x8xf32, #tpu.memory_space<vmem>> -> memref<128x8xf32, #tpu.memory_space<vmem>>
      %dma_wait3A_36 = arith.constant 0 : i32
      %dma_wait3A_37 = tpu.memref_slice %arg6[%dma_wait3A, %dma_wait3A_36] : memref<15x128xi32, #tpu.memory_space<vmem>> -> memref<1x128xi32, #tpu.memory_space<vmem>>
      %dma_wait3A_38 = tpu.memref_squeeze %dma_wait3A_37 : memref<1x128xi32, #tpu.memory_space<vmem>> -> memref<128xi32, #tpu.memory_space<vmem>>
      %dma_wait3A_39 = arith.constant 0 : i32
      %dma_wait3A_40 = arith.constant 0 : i32
      %dma_wait3A_41 = tpu.memref_slice %arg8[%dma_wait3A_39, %dma_wait3A_40] : memref<100000x8xf32, #tpu.memory_space<vmem_shared>> -> memref<100000x8xf32, #tpu.memory_space<vmem_shared>>
      tpu.wait_indirect_dma semaphore(%arg9 : memref<!tpu.dma_semaphore, #tpu.memory_space<semaphore_mem>>) src(%dma_wait3A_35 : memref<128x8xf32, #tpu.memory_space<vmem>>) dst(%dma_wait3A_41 : memref<100000x8xf32, #tpu.memory_space<vmem_shared>>)
    } else {
    }
    %barrier3A_14 = arith.constant 0 : index
    tpu.barrier barrier_id(%barrier3A_14)
    %eq3A_15 = arith.constant 0 : i32
    %eq3A_16 = arith.cmpi eq, %arg1, %eq3A_15 : i32
    %convert_element_type3A_17 = arith.extui %eq3A_16 : i1 to i32
    %cond3A_18 = arith.constant 0 : i32
    %cond3A_19 = arith.cmpi ne, %convert_element_type3A_17, %cond3A_18 : i32
    scf.if %cond3A_19 {
      "tpu.region"() ({
        %run_scoped3A = tpu.sem_alloc : memref<!tpu.dma_semaphore, #tpu.memory_space<semaphore_mem>>
        %dma_start3A = arith.constant 0 : i32
        %dma_start3A_20 = arith.constant 0 : i32
        %dma_start3A_21 = tpu.memref_slice %arg5[%arg0, %dma_start3A, %dma_start3A_20] : memref<2x100000x8xf32, #tpu.memory_space<hbm>> -> memref<1x100000x8xf32, #tpu.memory_space<hbm>>
        %dma_start3A_22 = tpu.memref_squeeze %dma_start3A_21 : memref<1x100000x8xf32, #tpu.memory_space<hbm>> -> memref<100000x8xf32, #tpu.memory_space<hbm>>
        tpu.enqueue_dma source(%arg8 : memref<100000x8xf32, #tpu.memory_space<vmem_shared>>) target(%dma_start3A_22 : memref<100000x8xf32, #tpu.memory_space<hbm>>) target_semaphore(%run_scoped3A : memref<!tpu.dma_semaphore, #tpu.memory_space<semaphore_mem>>)
        %dma_wait3A = arith.constant 0 : i32
        %dma_wait3A_23 = arith.constant 0 : i32
        %dma_wait3A_24 = tpu.memref_slice %arg5[%arg0, %dma_wait3A, %dma_wait3A_23] : memref<2x100000x8xf32, #tpu.memory_space<hbm>> -> memref<1x100000x8xf32, #tpu.memory_space<hbm>>
        %dma_wait3A_25 = tpu.memref_squeeze %dma_wait3A_24 : memref<1x100000x8xf32, #tpu.memory_space<hbm>> -> memref<100000x8xf32, #tpu.memory_space<hbm>>
        tpu.wait_dma2 semaphore(%run_scoped3A : memref<!tpu.dma_semaphore, #tpu.memory_space<semaphore_mem>>) src(%arg8 : memref<100000x8xf32, #tpu.memory_space<vmem_shared>>) dst(%dma_wait3A_25 : memref<100000x8xf32, #tpu.memory_space<hbm>>)
        tpu.yield
      }) : () -> ()
    } else {
    }
    return
  }
}

#map = affine_map<(d0, d1) -> (0, 0)>
#map1 = affine_map<(d0, d1) -> (0)>
module attributes {stable_mosaic.version = 14 : i64} {
  func.func @_gather_rows(%arg0: i32, %arg1: i32, %arg2: memref<100000x16xf32, #tpu.memory_space<hbm>>, %arg3: memref<3200000xi32, #tpu.memory_space<hbm>>, %arg4: memref<1600000x2xf32, #tpu.memory_space<hbm>>, %arg5: memref<3200000x16xf32, #tpu.memory_space<hbm>>, %arg6: memref<5000xi32, #tpu.memory_space<vmem>>, %arg7: memref<5000x16xf32, #tpu.memory_space<vmem>>, %arg8: memref<!tpu.dma_semaphore, #tpu.memory_space<semaphore_mem>>) attributes {dimension_semantics = [#tpu.dimension_semantics<core_parallel>, #tpu.dimension_semantics<subcore_parallel>], iteration_bounds = array<i64: 2, 16>, scalar_prefetch = 0 : i64, scratch_operands = 3 : i64, tpu.core_type = #tpu.core_type<sc_vector_subcore>, window_params = [{transform_indices = #map}, {transform_indices = #map1}, {transform_indices = #map}, {transform_indices = #map}]} {
    %mul3A = arith.constant 2 : i32
    %mul3A_0 = arith.muli %arg1, %mul3A : i32
    %add3A = arith.addi %mul3A_0, %arg0 : i32
    %mul3A_1 = arith.constant 100000 : i32
    %mul3A_2 = arith.muli %add3A, %mul3A_1 : i32
    %scan3A = arith.constant 0 : i32
    %scan3A_3 = arith.constant 0 : i32
    %scan3A_4 = arith.constant 20 : i32
    %scan3A_5 = arith.addi %scan3A_3, %scan3A_4 : i32
    %scan3A_6 = arith.constant 1 : i32
    scf.for %scan3A_8 = %scan3A_3 to %scan3A_5 step %scan3A_6  : i32 {
      %mul3A_9 = arith.constant 5000 : i32
      %mul3A_10 = arith.muli %scan3A_8, %mul3A_9 : i32
      %add3A_11 = arith.addi %mul3A_2, %mul3A_10 : i32
      "tpu.region"() ({
        %run_scoped3A = tpu.sem_alloc : memref<!tpu.dma_semaphore, #tpu.memory_space<semaphore_mem>>
        %dma_start3A_18 = tpu.memref_slice %arg3[%add3A_11] : memref<3200000xi32, #tpu.memory_space<hbm>> -> memref<5000xi32, #tpu.memory_space<hbm>>
        %dma_start3A_19 = tpu.memref_slice %arg3[%add3A_11] : memref<3200000xi32, #tpu.memory_space<hbm>> -> memref<5000xi32, #tpu.memory_space<hbm>>
        tpu.enqueue_dma source(%dma_start3A_19 : memref<5000xi32, #tpu.memory_space<hbm>>) target(%arg6 : memref<5000xi32, #tpu.memory_space<vmem>>) target_semaphore(%run_scoped3A : memref<!tpu.dma_semaphore, #tpu.memory_space<semaphore_mem>>)
        %dma_wait3A_20 = tpu.memref_slice %arg3[%add3A_11] : memref<3200000xi32, #tpu.memory_space<hbm>> -> memref<5000xi32, #tpu.memory_space<hbm>>
        %dma_wait3A_21 = tpu.memref_slice %arg3[%add3A_11] : memref<3200000xi32, #tpu.memory_space<hbm>> -> memref<5000xi32, #tpu.memory_space<hbm>>
        tpu.wait_dma2 semaphore(%run_scoped3A : memref<!tpu.dma_semaphore, #tpu.memory_space<semaphore_mem>>) src(%dma_wait3A_21 : memref<5000xi32, #tpu.memory_space<hbm>>) dst(%arg6 : memref<5000xi32, #tpu.memory_space<vmem>>)
        tpu.yield
      }) : () -> ()
      %dma_start3A = arith.constant 0 : i32
      %dma_start3A_12 = arith.constant 0 : i32
      %dma_start3A_13 = tpu.memref_slice %arg2[%dma_start3A, %dma_start3A_12] : memref<100000x16xf32, #tpu.memory_space<hbm>> -> memref<100000x16xf32, #tpu.memory_space<hbm>>
      tpu.enqueue_indirect_dma source(%dma_start3A_13 : memref<100000x16xf32, #tpu.memory_space<hbm>>) target(%arg7 : memref<5000x16xf32, #tpu.memory_space<vmem>>) offsets(%arg6 : memref<5000xi32, #tpu.memory_space<vmem>>) semaphore(%arg8 : memref<!tpu.dma_semaphore, #tpu.memory_space<semaphore_mem>>)
      %dma_wait3A = arith.constant 0 : i32
      %dma_wait3A_14 = arith.constant 0 : i32
      %dma_wait3A_15 = tpu.memref_slice %arg2[%dma_wait3A, %dma_wait3A_14] : memref<100000x16xf32, #tpu.memory_space<hbm>> -> memref<100000x16xf32, #tpu.memory_space<hbm>>
      tpu.wait_indirect_dma semaphore(%arg8 : memref<!tpu.dma_semaphore, #tpu.memory_space<semaphore_mem>>) src(%dma_wait3A_15 : memref<100000x16xf32, #tpu.memory_space<hbm>>) dst(%arg7 : memref<5000x16xf32, #tpu.memory_space<vmem>>)
      %lt3A = arith.constant 16 : i32
      %lt3A_16 = arith.cmpi slt, %add3A, %lt3A : i32
      %convert_element_type3A = arith.extui %lt3A_16 : i1 to i32
      %cond3A = arith.constant 0 : i32
      %cond3A_17 = arith.cmpi ne, %convert_element_type3A, %cond3A : i32
      scf.if %cond3A_17 {
        "tpu.region"() ({
          %run_scoped3A = tpu.sem_alloc : memref<!tpu.dma_semaphore, #tpu.memory_space<semaphore_mem>>
          %dma_start3A_18 = arith.constant 0 : i32
          %dma_start3A_19 = arith.constant 10 : i32
          %dma_start3A_20 = tpu.memref_slice %arg7[%dma_start3A_18, %dma_start3A_19] : memref<5000x16xf32, #tpu.memory_space<vmem>> -> memref<5000x2xf32, #tpu.memory_space<vmem>>
          %dma_start3A_21 = arith.constant 0 : i32
          %dma_start3A_22 = tpu.memref_slice %arg4[%add3A_11, %dma_start3A_21] : memref<1600000x2xf32, #tpu.memory_space<hbm>> -> memref<5000x2xf32, #tpu.memory_space<hbm>>
          %dma_start3A_23 = arith.constant 0 : i32
          %dma_start3A_24 = arith.constant 10 : i32
          %dma_start3A_25 = tpu.memref_slice %arg7[%dma_start3A_23, %dma_start3A_24] : memref<5000x16xf32, #tpu.memory_space<vmem>> -> memref<5000x2xf32, #tpu.memory_space<vmem>>
          %dma_start3A_26 = arith.constant 0 : i32
          %dma_start3A_27 = tpu.memref_slice %arg4[%add3A_11, %dma_start3A_26] : memref<1600000x2xf32, #tpu.memory_space<hbm>> -> memref<5000x2xf32, #tpu.memory_space<hbm>>
          tpu.enqueue_dma source(%dma_start3A_27 : memref<5000x2xf32, #tpu.memory_space<hbm>>) target(%dma_start3A_25 : memref<5000x2xf32, #tpu.memory_space<vmem>>) target_semaphore(%run_scoped3A : memref<!tpu.dma_semaphore, #tpu.memory_space<semaphore_mem>>)
          %dma_wait3A_28 = arith.constant 0 : i32
          %dma_wait3A_29 = arith.constant 10 : i32
          %dma_wait3A_30 = tpu.memref_slice %arg7[%dma_wait3A_28, %dma_wait3A_29] : memref<5000x16xf32, #tpu.memory_space<vmem>> -> memref<5000x2xf32, #tpu.memory_space<vmem>>
          %dma_wait3A_31 = arith.constant 0 : i32
          %dma_wait3A_32 = tpu.memref_slice %arg4[%add3A_11, %dma_wait3A_31] : memref<1600000x2xf32, #tpu.memory_space<hbm>> -> memref<5000x2xf32, #tpu.memory_space<hbm>>
          %dma_wait3A_33 = arith.constant 0 : i32
          %dma_wait3A_34 = arith.constant 10 : i32
          %dma_wait3A_35 = tpu.memref_slice %arg7[%dma_wait3A_33, %dma_wait3A_34] : memref<5000x16xf32, #tpu.memory_space<vmem>> -> memref<5000x2xf32, #tpu.memory_space<vmem>>
          %dma_wait3A_36 = arith.constant 0 : i32
          %dma_wait3A_37 = tpu.memref_slice %arg4[%add3A_11, %dma_wait3A_36] : memref<1600000x2xf32, #tpu.memory_space<hbm>> -> memref<5000x2xf32, #tpu.memory_space<hbm>>
          tpu.wait_dma2 semaphore(%run_scoped3A : memref<!tpu.dma_semaphore, #tpu.memory_space<semaphore_mem>>) src(%dma_wait3A_37 : memref<5000x2xf32, #tpu.memory_space<hbm>>) dst(%dma_wait3A_35 : memref<5000x2xf32, #tpu.memory_space<vmem>>)
          tpu.yield
        }) : () -> ()
      } else {
      }
      "tpu.region"() ({
        %run_scoped3A = tpu.sem_alloc : memref<!tpu.dma_semaphore, #tpu.memory_space<semaphore_mem>>
        %dma_start3A_18 = arith.constant 0 : i32
        %dma_start3A_19 = tpu.memref_slice %arg5[%add3A_11, %dma_start3A_18] : memref<3200000x16xf32, #tpu.memory_space<hbm>> -> memref<5000x16xf32, #tpu.memory_space<hbm>>
        %dma_start3A_20 = arith.constant 0 : i32
        %dma_start3A_21 = tpu.memref_slice %arg5[%add3A_11, %dma_start3A_20] : memref<3200000x16xf32, #tpu.memory_space<hbm>> -> memref<5000x16xf32, #tpu.memory_space<hbm>>
        tpu.enqueue_dma source(%arg7 : memref<5000x16xf32, #tpu.memory_space<vmem>>) target(%dma_start3A_21 : memref<5000x16xf32, #tpu.memory_space<hbm>>) target_semaphore(%run_scoped3A : memref<!tpu.dma_semaphore, #tpu.memory_space<semaphore_mem>>)
        %dma_wait3A_22 = arith.constant 0 : i32
        %dma_wait3A_23 = tpu.memref_slice %arg5[%add3A_11, %dma_wait3A_22] : memref<3200000x16xf32, #tpu.memory_space<hbm>> -> memref<5000x16xf32, #tpu.memory_space<hbm>>
        %dma_wait3A_24 = arith.constant 0 : i32
        %dma_wait3A_25 = tpu.memref_slice %arg5[%add3A_11, %dma_wait3A_24] : memref<3200000x16xf32, #tpu.memory_space<hbm>> -> memref<5000x16xf32, #tpu.memory_space<hbm>>
        tpu.wait_dma2 semaphore(%run_scoped3A : memref<!tpu.dma_semaphore, #tpu.memory_space<semaphore_mem>>) src(%arg7 : memref<5000x16xf32, #tpu.memory_space<vmem>>) dst(%dma_wait3A_25 : memref<5000x16xf32, #tpu.memory_space<hbm>>)
        tpu.yield
      }) : () -> ()
    }
    %scan3A_7 = arith.constant 20 : i32
    return
  }
}

module attributes {stable_mosaic.version = 14 : i64} {
  func.func @_edge_mlp_body(%arg0: i32, %arg1: memref<2x2000x128xf32, #tpu.memory_space<vmem>>, %arg2: memref<256x1024xf32, #tpu.memory_space<vmem>>, %arg3: memref<1x1024xf32, #tpu.memory_space<vmem>>, %arg4: memref<1024x64xf32, #tpu.memory_space<vmem>>, %arg5: memref<1x64xf32, #tpu.memory_space<vmem>>, %arg6: memref<2000x64xf32, #tpu.memory_space<vmem>>) attributes {dimension_semantics = [#tpu.dimension_semantics<arbitrary>], iteration_bounds = array<i64: 100>, scalar_prefetch = 0 : i64, scratch_operands = 0 : i64, tpu.core_type = #tpu.core_type<tc>, window_params = [{transform_indices = @transform_0, window_bounds = array<i64: 2, 2000, 128>}, {pipeline_mode = #tpu.pipeline_mode<synchronous>, transform_indices = @transform_1, window_bounds = array<i64: 256, 1024>}, {pipeline_mode = #tpu.pipeline_mode<synchronous>, transform_indices = @transform_2, window_bounds = array<i64: 1, 1024>}, {pipeline_mode = #tpu.pipeline_mode<synchronous>, transform_indices = @transform_3, window_bounds = array<i64: 1024, 64>}, {pipeline_mode = #tpu.pipeline_mode<synchronous>, transform_indices = @transform_4, window_bounds = array<i64: 1, 64>}, {transform_indices = @transform_5, window_bounds = array<i64: 2000, 64>}]} {
    %get3A = arith.constant 0 : index
    %get3A_0 = arith.constant 0 : index
    %get3A_1 = arith.constant 0 : index
    %get3A_2 = vector.load %arg1[%get3A, %get3A_0, %get3A_1] : memref<2x2000x128xf32, #tpu.memory_space<vmem>>, vector<1x2000x128xf32>
    %get3A_3 = vector.shape_cast %get3A_2 : vector<1x2000x128xf32> to vector<2000x128xf32>
    %get3A_4 = arith.constant 1 : index
    %get3A_5 = arith.constant 0 : index
    %get3A_6 = arith.constant 0 : index
    %get3A_7 = vector.load %arg1[%get3A_4, %get3A_5, %get3A_6] : memref<2x2000x128xf32, #tpu.memory_space<vmem>>, vector<1x2000x128xf32>
    %get3A_8 = vector.shape_cast %get3A_7 : vector<1x2000x128xf32> to vector<2000x128xf32>
    %concatenate3A = tpu.concatenate %get3A_3, %get3A_8 in 1 : vector<2000x128xf32>, vector<2000x128xf32> -> vector<2000x256xf32>
    %get3A_9 = arith.constant 0 : index
    %get3A_10 = arith.constant 0 : index
    %get3A_11 = vector.load %arg2[%get3A_9, %get3A_10] : memref<256x1024xf32, #tpu.memory_space<vmem>>, vector<256x1024xf32>
    %dot_general3A = arith.constant dense<0.000000e+00> : vector<2000x1024xf32>
    %dot_general3A_12 = tpu.matmul %concatenate3A, %get3A_11, %dot_general3A {dimension_numbers = #tpu.dot_dimension_numbers<[1], [0], [0], [1], [0, 0, 1, 1], [], []>, precision = #tpu.contract_precision<fp32>, transpose_lhs_hint = false} : vector<2000x256xf32>, vector<256x1024xf32>, vector<2000x1024xf32> -> vector<2000x1024xf32>
    %get3A_13 = arith.constant 0 : index
    %get3A_14 = arith.constant 0 : index
    %get3A_15 = vector.load %arg3[%get3A_13, %get3A_14] : memref<1x1024xf32, #tpu.memory_space<vmem>>, vector<1x1024xf32>
    %add3A = vector.broadcast %get3A_15 : vector<1x1024xf32> to vector<2000x1024xf32>
    %add3A_16 = arith.addf %dot_general3A_12, %add3A : vector<2000x1024xf32>
    %max3A = arith.constant 0.000000e+00 : f32
    %max3A_17 = vector.broadcast %max3A : f32 to vector<2000x1024xf32>
    %max3A_18 = arith.maximumf %add3A_16, %max3A_17 : vector<2000x1024xf32>
    %get3A_19 = arith.constant 0 : index
    %get3A_20 = arith.constant 0 : index
    %get3A_21 = vector.load %arg4[%get3A_19, %get3A_20] : memref<1024x64xf32, #tpu.memory_space<vmem>>, vector<1024x64xf32>
    %dot_general3A_22 = arith.constant dense<0.000000e+00> : vector<2000x64xf32>
    %dot_general3A_23 = tpu.matmul %max3A_18, %get3A_21, %dot_general3A_22 {dimension_numbers = #tpu.dot_dimension_numbers<[1], [0], [0], [1], [0, 0, 1, 1], [], []>, precision = #tpu.contract_precision<fp32>, transpose_lhs_hint = false} : vector<2000x1024xf32>, vector<1024x64xf32>, vector<2000x64xf32> -> vector<2000x64xf32>
    %get3A_24 = arith.constant 0 : index
    %get3A_25 = arith.constant 0 : index
    %get3A_26 = vector.load %arg5[%get3A_24, %get3A_25] : memref<1x64xf32, #tpu.memory_space<vmem>>, vector<1x64xf32>
    %add3A_27 = vector.broadcast %get3A_26 : vector<1x64xf32> to vector<2000x64xf32>
    %add3A_28 = arith.addf %dot_general3A_23, %add3A_27 : vector<2000x64xf32>
    %swap3A = arith.constant 0 : index
    %swap3A_29 = arith.constant 0 : index
    %swap3A_30 = vector.load %arg6[%swap3A, %swap3A_29] : memref<2000x64xf32, #tpu.memory_space<vmem>>, vector<2000x64xf32>
    tpu.vector_store %arg6[%swap3A, %swap3A_29], %add3A_28 {strides = array<i32>} : memref<2000x64xf32, #tpu.memory_space<vmem>>, vector<2000x64xf32>,
    return
  }
  func.func @transform_0(%arg0: i32) -> (i32, i32, i32) {
    %c0_i32 = arith.constant 0 : i32
    %c0_i32_0 = arith.constant 0 : i32
    %c0_i32_1 = arith.constant 0 : i32
    return %c0_i32, %arg0, %c0_i32_0 : i32, i32, i32
  }
  func.func @transform_1(%arg0: i32) -> (i32, i32) {
    %c0_i32 = arith.constant 0 : i32
    %c0_i32_0 = arith.constant 0 : i32
    %c0_i32_1 = arith.constant 0 : i32
    return %c0_i32, %c0_i32_0 : i32, i32
  }
  func.func @transform_2(%arg0: i32) -> (i32, i32) {
    %c0_i32 = arith.constant 0 : i32
    %c0_i32_0 = arith.constant 0 : i32
    %c0_i32_1 = arith.constant 0 : i32
    return %c0_i32, %c0_i32_0 : i32, i32
  }
  func.func @transform_3(%arg0: i32) -> (i32, i32) {
    %c0_i32 = arith.constant 0 : i32
    %c0_i32_0 = arith.constant 0 : i32
    %c0_i32_1 = arith.constant 0 : i32
    return %c0_i32, %c0_i32_0 : i32, i32
  }
  func.func @transform_4(%arg0: i32) -> (i32, i32) {
    %c0_i32 = arith.constant 0 : i32
    %c0_i32_0 = arith.constant 0 : i32
    %c0_i32_1 = arith.constant 0 : i32
    return %c0_i32, %c0_i32_0 : i32, i32
  }
  func.func @transform_5(%arg0: i32) -> (i32, i32) {
    %c0_i32 = arith.constant 0 : i32
    %c0_i32_0 = arith.constant 0 : i32
    return %arg0, %c0_i32 : i32, i32
  }
}

module attributes {stable_mosaic.version = 14 : i64} {
  func.func @_heads_body(%arg0: i32, %arg1: memref<2000x10xf32, #tpu.memory_space<vmem>>, %arg2: memref<2x2000x8xf32, #tpu.memory_space<vmem>>, %arg3: memref<10x3xf32, #tpu.memory_space<vmem>>, %arg4: memref<1x3xf32, #tpu.memory_space<vmem>>, %arg5: memref<10x1xf32, #tpu.memory_space<vmem>>, %arg6: memref<2000x3xf32, #tpu.memory_space<vmem>>, %arg7: memref<1x1xf32, #tpu.memory_space<vmem>>) attributes {dimension_semantics = [#tpu.dimension_semantics<arbitrary>], iteration_bounds = array<i64: 50>, scalar_prefetch = 0 : i64, scratch_operands = 0 : i64, tpu.core_type = #tpu.core_type<tc>, window_params = [{transform_indices = @transform_0, window_bounds = array<i64: 2000, 10>}, {transform_indices = @transform_1, window_bounds = array<i64: 2, 2000, 8>}, {pipeline_mode = #tpu.pipeline_mode<synchronous>, transform_indices = @transform_2, window_bounds = array<i64: 10, 3>}, {pipeline_mode = #tpu.pipeline_mode<synchronous>, transform_indices = @transform_3, window_bounds = array<i64: 1, 3>}, {pipeline_mode = #tpu.pipeline_mode<synchronous>, transform_indices = @transform_4, window_bounds = array<i64: 10, 1>}, {transform_indices = @transform_5, window_bounds = array<i64: 2000, 3>}, {pipeline_mode = #tpu.pipeline_mode<synchronous>, transform_indices = @transform_6, window_bounds = array<i64: 1, 1>}]} {
    %get3A = arith.constant 0 : index
    %get3A_0 = arith.constant 0 : index
    %get3A_1 = arith.constant 0 : index
    %get3A_2 = vector.load %arg2[%get3A, %get3A_0, %get3A_1] : memref<2x2000x8xf32, #tpu.memory_space<vmem>>, vector<1x2000x8xf32>
    %get3A_3 = vector.shape_cast %get3A_2 : vector<1x2000x8xf32> to vector<2000x8xf32>
    %get3A_4 = arith.constant 1 : index
    %get3A_5 = arith.constant 0 : index
    %get3A_6 = arith.constant 0 : index
    %get3A_7 = vector.load %arg2[%get3A_4, %get3A_5, %get3A_6] : memref<2x2000x8xf32, #tpu.memory_space<vmem>>, vector<1x2000x8xf32>
    %get3A_8 = vector.shape_cast %get3A_7 : vector<1x2000x8xf32> to vector<2000x8xf32>
    %add3A = arith.addf %get3A_3, %get3A_8 : vector<2000x8xf32>
    %get3A_9 = arith.constant 0 : index
    %get3A_10 = arith.constant 0 : index
    %get3A_11 = vector.load %arg1[%get3A_9, %get3A_10] : memref<2000x10xf32, #tpu.memory_space<vmem>>, vector<2000x10xf32>
    %get3A_12 = arith.constant 0 : index
    %get3A_13 = arith.constant 0 : index
    %get3A_14 = vector.load %arg3[%get3A_12, %get3A_13] : memref<10x3xf32, #tpu.memory_space<vmem>>, vector<10x3xf32>
    %dot_general3A = arith.constant dense<0.000000e+00> : vector<2000x3xf32>
    %dot_general3A_15 = tpu.matmul %get3A_11, %get3A_14, %dot_general3A {dimension_numbers = #tpu.dot_dimension_numbers<[1], [0], [0], [1], [0, 0, 1, 1], [], []>, transpose_lhs_hint = false} : vector<2000x10xf32>, vector<10x3xf32>, vector<2000x3xf32> -> vector<2000x3xf32>
    %slice3A = vector.extract_strided_slice %add3A {offsets = [0, 0], sizes = [2000, 3], strides = [1, 1]} : vector<2000x8xf32> to vector<2000x3xf32>
    %add3A_16 = arith.addf %dot_general3A_15, %slice3A : vector<2000x3xf32>
    %get3A_17 = arith.constant 0 : index
    %get3A_18 = arith.constant 0 : index
    %get3A_19 = vector.load %arg4[%get3A_17, %get3A_18] : memref<1x3xf32, #tpu.memory_space<vmem>>, vector<1x3xf32>
    %add3A_20 = vector.broadcast %get3A_19 : vector<1x3xf32> to vector<2000x3xf32>
    %add3A_21 = arith.addf %add3A_16, %add3A_20 : vector<2000x3xf32>
    %max3A = arith.constant 0.000000e+00 : f32
    %max3A_22 = vector.broadcast %max3A : f32 to vector<2000x3xf32>
    %max3A_23 = arith.maximumf %add3A_21, %max3A_22 : vector<2000x3xf32>
    %abs3A = math.absf %add3A_21 : vector<2000x3xf32>
    %neg3A = arith.constant 0.000000e+00 : f32
    %neg3A_24 = vector.broadcast %neg3A : f32 to vector<2000x3xf32>
    %neg3A_25 = arith.subf %neg3A_24, %abs3A : vector<2000x3xf32>
    %exp3A = math.exp %neg3A_25 : vector<2000x3xf32>
    %add3A_26 = arith.constant 1.000000e+00 : f32
    %add3A_27 = vector.broadcast %add3A_26 : f32 to vector<2000x3xf32>
    %add3A_28 = arith.addf %add3A_27, %exp3A : vector<2000x3xf32>
    %log3A = math.log %add3A_28 : vector<2000x3xf32>
    %add3A_29 = arith.addf %max3A_23, %log3A : vector<2000x3xf32>
    %swap3A = arith.constant 0 : index
    %swap3A_30 = arith.constant 0 : index
    %swap3A_31 = vector.load %arg6[%swap3A, %swap3A_30] : memref<2000x3xf32, #tpu.memory_space<vmem>>, vector<2000x3xf32>
    tpu.vector_store %arg6[%swap3A, %swap3A_30], %add3A_29 {strides = array<i32>} : memref<2000x3xf32, #tpu.memory_space<vmem>>, vector<2000x3xf32>,
    %get3A_32 = arith.constant 0 : index
    %get3A_33 = arith.constant 0 : index
    %get3A_34 = vector.load %arg1[%get3A_32, %get3A_33] : memref<2000x10xf32, #tpu.memory_space<vmem>>, vector<2000x10xf32>
    %get3A_35 = arith.constant 0 : index
    %get3A_36 = arith.constant 0 : index
    %get3A_37 = vector.load %arg5[%get3A_35, %get3A_36] : memref<10x1xf32, #tpu.memory_space<vmem>>, vector<10x1xf32>
    %dot_general3A_38 = arith.constant dense<0.000000e+00> : vector<2000x1xf32>
    %dot_general3A_39 = tpu.matmul %get3A_34, %get3A_37, %dot_general3A_38 {dimension_numbers = #tpu.dot_dimension_numbers<[1], [0], [0], [1], [0, 0, 1, 1], [], []>, transpose_lhs_hint = false} : vector<2000x10xf32>, vector<10x1xf32>, vector<2000x1xf32> -> vector<2000x1xf32>
    %reduce_sum3A = vector.shape_cast %dot_general3A_39 : vector<2000x1xf32> to vector<1x2000x1xf32>
    %reduce_sum3A_40 = arith.constant dense<0.000000e+00> : vector<1xf32>
    %reduce_sum3A_41 = vector.multi_reduction <add>, %reduce_sum3A, %reduce_sum3A_40 [1, 2] : vector<1x2000x1xf32> to vector<1xf32>
    %reduce_sum3A_42 = vector.shape_cast %reduce_sum3A_41 : vector<1xf32> to vector<1x1x1xf32>
    %reduce_sum3A_43 = vector.extract %reduce_sum3A_42[0, 0, 0] : f32 from vector<1x1x1xf32>
    %slice3A_44 = vector.extract_strided_slice %add3A {offsets = [0, 3], sizes = [2000, 1], strides = [1, 1]} : vector<2000x8xf32> to vector<2000x1xf32>
    %squeeze3A = vector.shape_cast %slice3A_44 : vector<2000x1xf32> to vector<2000xf32>
    %reduce_sum3A_45 = vector.shape_cast %squeeze3A : vector<2000xf32> to vector<1x2000xf32>
    %reduce_sum3A_46 = arith.constant dense<0.000000e+00> : vector<1xf32>
    %reduce_sum3A_47 = vector.multi_reduction <add>, %reduce_sum3A_45, %reduce_sum3A_46 [1] : vector<1x2000xf32> to vector<1xf32>
    %reduce_sum3A_48 = vector.shape_cast %reduce_sum3A_47 : vector<1xf32> to vector<1x1xf32>
    %reduce_sum3A_49 = vector.extract %reduce_sum3A_48[0, 0] : f32 from vector<1x1xf32>
    %add3A_50 = arith.addf %reduce_sum3A_43, %reduce_sum3A_49 : f32
    %eq3A = arith.constant 0 : i32
    %eq3A_51 = arith.cmpi eq, %arg0, %eq3A : i32
    %convert_element_type3A = arith.extui %eq3A_51 : i1 to i32
    %cond3A = arith.constant 0 : i32
    %cond3A_52 = arith.cmpi ne, %convert_element_type3A, %cond3A : i32
    scf.if %cond3A_52 {
      %broadcast_in_dim3A_60 = arith.constant 0.000000e+00 : f32
      %broadcast_in_dim3A_61 = vector.broadcast %broadcast_in_dim3A_60 : f32 to vector<1x1xf32>
      %swap3A_62 = arith.constant 0 : index
      %swap3A_63 = arith.constant 0 : index
      %swap3A_64 = vector.load %arg7[%swap3A_62, %swap3A_63] : memref<1x1xf32, #tpu.memory_space<vmem>>, vector<1x1xf32>
      tpu.vector_store %arg7[%swap3A_62, %swap3A_63], %broadcast_in_dim3A_61 {strides = array<i32>} : memref<1x1xf32, #tpu.memory_space<vmem>>, vector<1x1xf32>,
    } else {
    }
    %get3A_53 = arith.constant 0 : index
    %get3A_54 = arith.constant 0 : index
    %get3A_55 = vector.load %arg7[%get3A_53, %get3A_54] : memref<1x1xf32, #tpu.memory_space<vmem>>, vector<1x1xf32>
    %broadcast_in_dim3A = vector.broadcast %add3A_50 : f32 to vector<1x1xf32>
    %add3A_56 = arith.addf %get3A_55, %broadcast_in_dim3A : vector<1x1xf32>
    %swap3A_57 = arith.constant 0 : index
    %swap3A_58 = arith.constant 0 : index
    %swap3A_59 = vector.load %arg7[%swap3A_57, %swap3A_58] : memref<1x1xf32, #tpu.memory_space<vmem>>, vector<1x1xf32>
    tpu.vector_store %arg7[%swap3A_57, %swap3A_58], %add3A_56 {strides = array<i32>} : memref<1x1xf32, #tpu.memory_space<vmem>>, vector<1x1xf32>,
    return
  }
  func.func @transform_0(%arg0: i32) -> (i32, i32) {
    %c0_i32 = arith.constant 0 : i32
    %c0_i32_0 = arith.constant 0 : i32
    return %arg0, %c0_i32 : i32, i32
  }
  func.func @transform_1(%arg0: i32) -> (i32, i32, i32) {
    %c0_i32 = arith.constant 0 : i32
    %c0_i32_0 = arith.constant 0 : i32
    %c0_i32_1 = arith.constant 0 : i32
    return %c0_i32, %arg0, %c0_i32_0 : i32, i32, i32
  }
  func.func @transform_2(%arg0: i32) -> (i32, i32) {
    %c0_i32 = arith.constant 0 : i32
    %c0_i32_0 = arith.constant 0 : i32
    %c0_i32_1 = arith.constant 0 : i32
    return %c0_i32, %c0_i32_0 : i32, i32
  }
  func.func @transform_3(%arg0: i32) -> (i32, i32) {
    %c0_i32 = arith.constant 0 : i32
    %c0_i32_0 = arith.constant 0 : i32
    %c0_i32_1 = arith.constant 0 : i32
    return %c0_i32, %c0_i32_0 : i32, i32
  }
  func.func @transform_4(%arg0: i32) -> (i32, i32) {
    %c0_i32 = arith.constant 0 : i32
    %c0_i32_0 = arith.constant 0 : i32
    %c0_i32_1 = arith.constant 0 : i32
    return %c0_i32, %c0_i32_0 : i32, i32
  }
  func.func @transform_5(%arg0: i32) -> (i32, i32) {
    %c0_i32 = arith.constant 0 : i32
    %c0_i32_0 = arith.constant 0 : i32
    return %arg0, %c0_i32 : i32, i32
  }
  func.func @transform_6(%arg0: i32) -> (i32, i32) {
    %c0_i32 = arith.constant 0 : i32
    %c0_i32_0 = arith.constant 0 : i32
    %c0_i32_1 = arith.constant 0 : i32
    return %c0_i32, %c0_i32_0 : i32, i32
  }
}

</mosaic_0001>

<sc_bundles>
// kernel: kernel.6.cloned.1.call-start
scs
__scs_entry_jumppad:
0x0: {  	(pc) =	sbr.rel $0x88, $3  }
0x1: {  	(tag) =	ssettag $0x0;
	lr =	simm.s32 $0x1  }
0x2: {  	[smem:$0x3F8E] =	sst lr;
	_ =	strace $0xD0000000  }
0x3: {  	_ = 	snop  }
0x4: {  	_ = 	snop  }
0x5: {  	_ = 	snop  }
0x6: {  	_ = 	snop  }
0x7: {  	_ = 	snop  }
__scs_overlays_trampoline_lowered:
0x8: {  	[smem:$0x3F9D] =	sst s0  }
0x9: {  	[smem:$0x3F9E] =	sst s1  }
0xa: {  	[smem:$0x3F9F] =	sst s2  }
0xb: {  	[smem:$0x3FA0] =	sst s3  }
0xc: {  	[smem:$0x3FA1] =	sst s4  }
0xd: {  	[smem:$0x3FA2] =	sst s5  }
0xe: {  	[smem:$0x3FA3] =	sst s6  }
0xf: {  	[smem:$0x3FA4] =	sst s7  }
0x10: {  	[smem:$0x3FA5] =	sst s8  }
0x11: {  	[smem:$0x3FA6] =	sst s9;
	s0 =	simm.s32 @!p0 $0x0  }
0x12: {  	s1 =	sld [smem:$0x3F8C];
	s0 =	simm.s32 @p0 $0x1  }
0x13: {  	[smem:$0x3FA7] =	sst s0;
	s0 =	simm.s32 @!p1 $0x0  }
0x14: {  	s2 =	sld [smem:$0x3F8B];
	s0 =	simm.s32 @p1 $0x1  }
0x15: {  	[smem:$0x3FA8] =	sst s0;
	s0 =	simm.s32 @!p2 $0x0  }
0x16: {  	s3 =	sld [smem:$0x3FDB];
	s0 =	simm.s32 @p2 $0x1  }
0x17: {  	s4 =	simm.s32 $0x1BF5;
	[smem:$0x3FAA] =	sst s0  }
0x18: {  	s0 =	sld [smem:$0x3F8D];
	_ =	swait.ge [sflag:s4], $0x0  }
0x19: {  	s7 =	sld [smem:$0x3F8E]  }
0x1a: {  	s8 =	sadd.s32 $0xFFFFE003, lr  }
0x1b: {  	s9 =	sadd.s32 $0xFFFFFEF7, lr;
	s5 =	simm.s32 $0xFFFFFFFF;
	p2 =	slt.u32 s8, $0xFFFFF086  }
0x1c: {  	p1 =	slt.u32 s9, $0xF7A;
	s5 =	simm.s32 @!p2 $0x0  }
0x1d: {  	s5 =	simm.s32 @p1 $0x1;
	p0 =	seq.s32 s7, s2  }
0x1e: {  	s7 =	smul.u32 @!p0 $0xF7A, s2;
	p2 =	seq.s32 @!p0 s5, $0x0  }
0x1f: {  	s9 =	smul.u32 $0xF7A, s1;
	s8 =	simm.s32 @!p0 $0x1BF5;
	p2 =	por !p2, p0  }
0x20: {  	[sflag:s8] =	ssyncset.s32 @!p0 $0xFFFFF086;
	s6 =	sadd.s32 @!p0 s3, s7;
	s7 =	simm.s32 @!p0 $0x108  }
0x21: {  	s3 =	sadd.s32 s3, s9;
	s6 =	sadd.s32 @!p0 $0x88, s6;
	s7 =	simm.s32 @p2 $0x1082  }
0x22: {  	[simem:s7], [sflag:s8] =	dma.local @!p0 [hbm:s6], $0xF7A  }
0x23: {  	s9 =	sor.u32 $0xD0000000, s2;
	s6 =	simm.s32 $0x108;
	_ =	swait.ge @!p0 [sflag:s8], $0x0  }
0x24: {  	s3 =	sadd.s32 $0x88, s3;
	s6 =	simm.s32 @!p1 $0x1082;
	[sflag:s4] =	ssyncset.s32 $0xFFFFF086  }
0x25: {  	[simem:s6], [sflag:s4] =	dma.local [hbm:s3], $0xF7A  }
0x26: {  	[smem:$0x3F8E] =	sst s1;
	(tag) =	ssettag s2;
	_ =	strace s9  }
0x27: {  	s1 =	sld [smem:$0x3F9E]  }
0x28: {  	s2 =	sld [smem:$0x3F9F]  }
0x29: {  	s4 =	sld [smem:$0x3FA1]  }
0x2a: {  	p0 =	seq.s32 s5, $0x0;
	s5 =	sld [smem:$0x3FA2]  }
0x2b: {  	s6 =	sld [smem:$0x3FA3]  }
0x2c: {  	s7 =	sld [smem:$0x3FA4]  }
0x2d: {  	s3 =	simm.s32 $0x108;
	s8 =	sld [smem:$0x3FA5]  }
0x2e: {  	s3 =	simm.s32 @!p0 $0x1082;
	s9 =	sld [smem:$0x3FA6]  }
0x2f: {  	lr =	sadd.s32 s0, s3;
	s0 =	sld [smem:$0x3F9D]  }
0x30: {  	s3 =	sld [smem:$0x3FA0]  }
0x31: {  	[smem:$0x3FA9] =	sst s10  }
0x32: {  	s10 =	sld [smem:$0x3FA7];
	_ =	sdelay $0x3  }
0x33: {  	p0 =	seq.s32 s10, $0x1;
	s10 =	sld [smem:$0x3FA9];
	_ =	sdelay $0x3  }
0x34: {  	[smem:$0x3FA9] =	sst s10  }
0x35: {  	s10 =	sld [smem:$0x3FA8];
	_ =	sdelay $0x3  }
0x36: {  	p1 =	seq.s32 s10, $0x1;
	s10 =	sld [smem:$0x3FA9];
	_ =	sdelay $0x3  }
0x37: {  	[smem:$0x3FA9] =	sst s10  }
0x38: {  	s10 =	sld [smem:$0x3FAA]  }
0x39: {  	_ = 	snop;
	(pc) =	sbr.ind lr, $3  }
0x3a: {  	_ = 	snop  }
0x3b: {  	_ = 	snop  }
0x3c: {  	p2 =	seq.s32 s10, $0x1;
	s10 =	sld [smem:$0x3FA9]  }
0x3d: {  	_ =	shalt  }
0x3e: {  	_ =	shalt  }
0x3f: {  	_ =	shalt  }
0x40: {  	_ =	shalt  }
0x41: {  	_ =	shalt  }
0x42: {  	_ =	shalt  }
0x43: {  	_ =	shalt  }
0x44: {  	_ =	shalt  }
0x45: {  	_ =	shalt  }
0x46: {  	_ =	shalt  }
0x47: {  	_ =	shalt  }
0x48: {  	_ =	shalt  }
0x49: {  	_ =	shalt  }
0x4a: {  	_ =	shalt  }
0x4b: {  	_ =	shalt  }
0x4c: {  	_ =	shalt  }
0x4d: {  	_ =	shalt  }
0x4e: {  	_ =	shalt  }
0x4f: {  	_ =	shalt  }
0x50: {  	_ =	shalt  }
0x51: {  	_ =	shalt  }
0x52: {  	_ =	shalt  }
0x53: {  	_ =	shalt  }
0x54: {  	_ =	shalt  }
0x55: {  	_ =	shalt  }
0x56: {  	_ =	shalt  }
0x57: {  	_ =	shalt  }
0x58: {  	_ =	shalt  }
0x59: {  	_ =	shalt  }
0x5a: {  	_ =	shalt  }
0x5b: {  	_ =	shalt  }
0x5c: {  	_ =	shalt  }
0x5d: {  	_ =	shalt  }
0x5e: {  	_ =	shalt  }
0x5f: {  	_ =	shalt  }
0x60: {  	_ =	shalt  }
0x61: {  	_ =	shalt  }
0x62: {  	_ =	shalt  }
0x63: {  	_ =	shalt  }
0x64: {  	_ =	shalt  }
0x65: {  	_ =	shalt  }
0x66: {  	_ =	shalt  }
0x67: {  	_ =	shalt  }
0x68: {  	_ =	shalt  }
0x69: {  	_ =	shalt  }
0x6a: {  	_ =	shalt  }
0x6b: {  	_ =	shalt  }
0x6c: {  	_ =	shalt  }
0x6d: {  	_ =	shalt  }
0x6e: {  	_ =	shalt  }
0x6f: {  	_ =	shalt  }
0x70: {  	_ =	shalt  }
0x71: {  	_ =	shalt  }
0x72: {  	_ =	shalt  }
0x73: {  	_ =	shalt  }
0x74: {  	_ =	shalt  }
0x75: {  	_ =	shalt  }
0x76: {  	_ =	shalt  }
0x77: {  	_ =	shalt  }
0x78: {  	_ =	shalt  }
0x79: {  	_ =	shalt  }
0x7a: {  	_ =	shalt  }
0x7b: {  	_ =	shalt  }
0x7c: {  	_ =	shalt  }
0x7d: {  	_ =	shalt  }
0x7e: {  	_ =	shalt  }
0x7f: {  	_ =	shalt  }
0x80: {  	_ =	shalt  }
0x81: {  	_ =	shalt  }
0x82: {  	_ =	shalt  }
0x83: {  	_ =	shalt  }
0x84: {  	_ =	shalt  }
0x85: {  	_ =	shalt  }
0x86: {  	_ =	shalt  }
0x87: {  	_ =	shalt  }
.Lfunc_end0:
.L_simem_size_0:
called_computation_lowered:
.L_overlay_start_0:
0x88: {  	s2 =	sld [smem:$0x3FD9]  }
0x89: {  	s3 =	sld [smem:$0x3FFE];
	_ =	sdelay $0x1  }
0x8a: {  	s1 =	srdreg.scid  }
0x8b: {  	s0 =	sand.u32 $0x1, s1  }
0x8c: {  	s16 =	sshll.u32 s0, $0xA;
	s2 =	sadd.s32 s3, s2  }
0x8d: {  	s2 =	sadd.s32 s2, s16  }
0x8e: {  	[smem:$0x3FB5] =	sst s2  }
0x8f: {  	_ = 	snop  }
0x90: {  	(tm) =	ssettm $0x1  }
0x91: {  	s17 =	sld [smem:$0x3FFB];
	_ =	sdelay $0x3  }
0x92: {  	_ =	strace s17  }
0x93: {  	s2 =	sld [smem:$0x3FFC];
	_ =	sdelay $0x3  }
0x94: {  	_ =	strace s2  }
0x95: {  	s2 =	sld [smem:$0x3FFD];
	_ =	sdelay $0x3  }
0x96: {  	_ =	strace s2  }
0x97: {  	_ =	strace $0x8FFFFFFF  }
0x98: {  	s18 =	sld [smem:$0x3FDB];
	_ =	sdelay $0x1  }
0x99: {  	s19 =	simm.s32 $_scs_section_size  }
0x9a: {  	s4 =	simm.s32 $_size__tile_overlayer_lowered;
	s5 =	simm.s32 $_tile_overlayer_lowered  }
0x9b: {  	s22 =	simm.s32 $0x1BFF;
	s21 =	sshll.u32 s5, $0x1;
	s2 =	sadd.s32 s19, s18  }
0x9c: {  	s6 =	simm.s32 $0x0;
	s20 =	sshll.u32 s4, $0x1;
	s4 =	sadd.s32 s21, s2  }
0x9d: {  	[timem:s6], [sflag:s22] =	dma.local [hbm:s4], s20  }
0x9e: {  	_ =	swait.ge [sflag:s22], s20  }
0x9f: {  	s3 =	ssub.s32 $0x0, s20;
	[sflag:s22] =	ssyncset.done $0x0  }
0xa0: {  	[sflag:s22] =	ssyncadd.s32 s3;
	_ =	sdelay $0x1  }
0xa1: {  	s23 =	simm.s32 $0x1B8B  }
0xa2: {  	_ =	swait.ge [sflag:s23], $0x1  }
0xa3: {  	[sflag:s23] =	ssyncset.done $0x0  }
0xa4: {  	s25 =	simm.s32 $0x1B8E;
	s24 =	sld [smem:$0x3FFE];
	[sflag:s23] =	ssyncadd.s32 $0xFFFFFFFF  }
0xa5: {  	s26 =	simm.s32 $execute0_lowered;
	[smem:$0x3FD2] =	sst s25  }
0xa6: {  	s4 =	sshll.u32 s26, $0x1;
	_ =	strace $0x80000046;
	[dreg:$0x1] =	wrdreg $0xFFFFFFFF  }
0xa7: {  	s28 =	simm.s32 $_size_execute0_lowered;
	s2 =	sadd.s32 s2, s4;
	[dreg:$0x0] =	wrdreg $0x0  }
0xa8: {  	s4 =	sshll.u32 s28, $0x1;
	[dreg:$0x2] =	wrdreg s2  }
0xa9: {  	[dreg:$0x3] =	wrdreg s4  }
0xaa: {  	[dreg:$0x4] =	wrdreg $0xC0  }
0xab: {  	_ =	task [dreg:s6], $0x5FFFF  }
0xac: {  	[dreg:$0x1] =	wrdreg $0xFFFFFFFF  }
0xad: {  	[dreg:$0x0] =	wrdreg $0x60  }
0xae: {  	[dreg:$0x2] =	wrdreg s24  }
0xaf: {  	[dreg:$0x3] =	wrdreg $0x9  }
0xb0: {  	_ =	task.clear_ibuf [dreg:s6], $0x4FFFF;
	_ =	strace $0x90000046  }
0xb1: {  	s29 =	simm.s32 $0x9;
	_ =	strace $0x80000048  }
0xb2: {  	_ =	swait.ge [sflag:s29], $0x1  }
0xb3: {  	[sflag:s29] =	ssyncadd.s32 $0xFFFFFFFF  }
0xb4: {  	_ =	strace $0x90000048  }
0xb5: {  	_ =	sfence  }
0xb6: {  	s30 =	sld [smem:$0x0];
	_ =	sdelay $0x2  }
0xb7: {  	s31 =	sshll.u32 s1, $0xD;
	s1 =	sshrl.u32 s1, $0x2  }
0xb8: {  	s3 =	sand.u32 $0x4000, s31;
	s1 =	sadd.s32 s1, s30  }
0xb9: {  	s0 =	sor.u32 s3, s0;
	s1 =	sshll.u32 s1, $0x11  }
0xba: {  	s0 =	sor.u32 s1, s0  }
0xbb: {  	s0 =	sadd.s32 $0x8F2B, s0  }
0xbc: {  	[sflag:s0] =	ssyncadd.remote.s32 $0x1  }
0xbd: {  	_ =	sfence.sel $0xFFFF  }
0xbe: {  	[dreg:$0x0] =	wrdreg $0xFFFFFFFF;
	(pc) =	sbr.abs _section_cstart, $3  }
0xbf: {  	[dreg:$0x1] =	wrdreg $0xFFFFFFFF  }
0xc0: {  	_ =	task.clear_ibuf [dreg:s6], $0x2FFFF;
	_ =	strace $0x9FFFFFFF  }
0xc1: {  	(tm) =	ssettm $0x7FFFFFFF  }
tec
execute0_lowered:
.L_overlay_start_1:
0x0: {  	(tag) =	ssettag $0x1  }
0x1: {  	s6 =	rddreg [dreg:$0x0]  }
0x2: {  	s0 =	rddreg [dreg:$0x1];
	s1 =	simm.s32 $0x0;
	s4 =	srdreg.scid  }
0x3: {  	s2 =	stileid.u32;
	s11 =	simm.s32 $0x1;
	s12 =	simm.s32 $0x0  }
0x4: {  	[smem:$0x7FF] =	sst s1;
	s3 =	sadd.s32 $0x189E00, s6;
	s7 =	sand.u32 $0x1, s4  }
.Ltmp0:
0x5: {  	s4 =	sadd.s32 $0x341600, s6;
	s9 =	sshll.u32 s2, $0x1;
	(pc) =	sbr.rel .LBB2_1-.Ltmp0, $4  }
0x6: {  	s5 =	sadd.s32 $0x1BAC00, s6;
	s6 =	sadd.s32 $0x3A3200, s6;
	s8 =	ssub.s32 $0x2, s7  }
0x7: {  	p0 =	sgt.u32 s2, $0x7;
	_ =	strace $0x80000047;
	s10 =	sshrl.u32 s8, $0x1  }
0x8: {  	s7 =	sor.u32 s7, s9;
	s9 =	simm.s32 $0x2;
	s8 =	ssub.s32 s8, s10  }
0x9: {  	s7 =	smul.u32 $0x186A0, s7;
	s10 =	simm.s32 $0x1388;
	s8 =	smax.u32 s8, $0x1  }
.LBB2_7:
0xa: {  	s12 =	sadd.s32 $0x1, s12  }
0xb: {  	p1 =	sne.s32 s12, s8  }
.Ltmp1:
0xc: {  	_ = 	snop;
	(pc) =	sbr.rel @!p1 .LBB2_8-.Ltmp1, $1  }
0xd: {  	_ =	sdelay $0x3  }
.LBB2_1:
.Ltmp2:
0xe: {  	(pc) =	sbr.rel .LBB2_2-.Ltmp2, $2  }
0xf: {  	_ =	sdelay $0x2  }
0x10: {  	s13 =	simm.s32 $0x0  }
.LBB2_6:
0x11: {  	s13 =	sadd.s32 $0x1, s13  }
0x12: {  	s14 =	sshll.u32 s14, $0x1;
	p1 =	sne.s32 s13, $0x14  }
.Ltmp3:
0x13: {  	s14 =	sadd.s32 s6, s14;
	(pc) =	sbr.rel @!p1 .LBB2_7-.Ltmp3, $4  }
0x14: {  	[hbm4b:s14+s1] =	stream.linear.scatter [tilespmem:s10], [sflag:$0x2], $0x13880, $0x38;
	[tilespmem:$0x14C08] =	vst v63  }
0x15: {  	_ =	swait.ge [sflag:s9], $0x13880  }
0x16: {  	[sflag:s9] =	ssyncset.done $0x0  }
0x17: {  	[sflag:s9] =	ssyncadd.s32 $0xFFFEC780  }
.LBB2_2:
0x18: {  	s14 =	smul.u32 $0x1388, s13;
	_ =	sdelay $0x1  }
0x19: {  	s14 =	sadd.s32 s7, s14  }
0x1a: {  	s15 =	sshrl.u32 s14, $0x3  }
0x1b: {  	s15 =	sadd.s32 s4, s15  }
0x1c: {  	[tilespmem:s1], [sflag:$0x2] =	stream.linear.gather [hbm4b:s15+s1], $0x1388, $0x38;
	[tilespmem:$0x14C08] =	vst v63  }
0x1d: {  	_ =	swait.ge [sflag:s9], $0x1388  }
0x1e: {  	[sflag:s9] =	ssyncset.done $0x0  }
.Ltmp4:
0x1f: {  	[sflag:s9] =	ssyncadd.s32 $0xFFFFEC78;
	(pc) =	sbr.rel @p0 .LBB2_6-.Ltmp4, $4  }
0x20: {  	[tilespmem:s10], [sflag:$0x1] =	stream.indirect.gather [hbm4b:s3+s10], $0x10, s1, s10, $0xb8;
	[tilespmem:$0x14C08] =	vst v63  }
0x21: {  	_ =	swait.ge [sflag:s11], $0x13880  }
0x22: {  	[sflag:s11] =	ssyncset.done $0x0  }
0x23: {  	[sflag:s11] =	ssyncadd.s32 $0xFFFEC780  }
0x24: {  	s15 =	sadd.s32 s5, s14;
	s16 =	simm.s32 $0x1392  }
0x25: {  	s17 =	simm.s32 $0x1;
	s18 =	simm.s32 $0x13A2;
	s19 =	sadd.s32 $0x0, s15  }
.LBB2_4:
0x26: {  	[tilespmem:s16], [sflag:$0x2] =	stream.linear.gather [hbm4b:s19+s1], $0x2, $0x38;
	[tilespmem:$0x14C08] =	vst v63  }
0x27: {  	s19 =	smov.u32 s17;
	s16 =	smov.u32 s18;
	p1 =	sne.s32 s17, $0x1387  }
.Ltmp5:
0x28: {  	s17 =	sadd.s32 $0x1, s17;
	(pc) =	sbr.rel @p1 .LBB2_4-.Ltmp5, $2  }
0x29: {  	_ =	sdelay $0x2  }
0x2a: {  	s18 =	sadd.s32 $0x10, s18;
	s19 =	sadd.s32 s19, s15  }
.Ltmp6:
0x2b: {  	(pc) =	sbr.rel .LBB2_6-.Ltmp6, $4  }
0x2c: {  	[tilespmem:s16], [sflag:$0x2] =	stream.linear.gather [hbm4b:s19+s1], $0x2, $0x38;
	[tilespmem:$0x14C08] =	vst v63  }
0x2d: {  	_ =	swait.ge [sflag:s9], $0x2710  }
0x2e: {  	[sflag:s9] =	ssyncset.done $0x0  }
0x2f: {  	[sflag:s9] =	ssyncadd.s32 $0xFFFFD8F0  }
.LBB2_8:
0x30: {  	_ =	sfence.sel $0x180000  }
0x31: {  	[bflag:$0x0] =	sbarrier.arrive $0xFFFF  }
0x32: {  	p0 =	sne.s32 s2, $0x0;
	_ =	strace $0x90000047  }
0x33: {  	s0 =	sadd.s32 @!p0 $0x100000, s0;
	[bflag:$0x2] =	sbarrier.arrive $0xFFFF  }
0x34: {  	[sflag:s0] =	ssyncadd.tile.s32 @!p0 $0x1;
	_ =	shalt  }
.Lfunc_end2:
_tile_overlayer_lowered:
.L_overlay_start_2:
0x35: {  	(tag) =	ssettag $0x2  }
0x36: {  	s0 =	rddreg [dreg:$0x0];
	s2 =	stileid.u32  }
0x37: {  	s1 =	rddreg [dreg:$0x1];
	p0 =	sne.s32 s2, $0x0  }
0x38: {  	s3 =	rddreg [dreg:$0x2];
	[bflag:$0x3] =	sbarrier.arrive $0xFFFF;
	s2 =	simm.s32 @!p0 $0x1C02  }
0x39: {  	[timem:s3], [sflag:s2] =	dma.local @!p0 [hbm:s0], s1  }
0x3a: {  	s0 =	simm.s32 @!p0 $0x2  }
0x3b: {  	_ =	swait.ge @!p0 [sflag:s0], s1  }
0x3c: {  	s1 =	ssub.s32 @!p0 $0x0, s1;
	[sflag:s0] =	ssyncset.done @!p0 $0x0  }
0x3d: {  	[sflag:s0] =	ssyncadd.s32 @!p0 s1  }
0x3e: {  	[bflag:$0x3] =	sbarrier.arrive $0xFFFF  }
0x3f: {  	_ =	shalt  }

// kernel: kernel.9.cloned.1.call-start
scs
__scs_entry_jumppad:
0x0: {  	(pc) =	sbr.rel $0x88, $3  }
0x1: {  	(tag) =	ssettag $0x0;
	lr =	simm.s32 $0x1  }
0x2: {  	[smem:$0x3F8E] =	sst lr;
	_ =	strace $0xD0000000  }
0x3: {  	_ = 	snop  }
0x4: {  	_ = 	snop  }
0x5: {  	_ = 	snop  }
0x6: {  	_ = 	snop  }
0x7: {  	_ = 	snop  }
__scs_overlays_trampoline_lowered:
0x8: {  	[smem:$0x3F9D] =	sst s0  }
0x9: {  	[smem:$0x3F9E] =	sst s1  }
0xa: {  	[smem:$0x3F9F] =	sst s2  }
0xb: {  	[smem:$0x3FA0] =	sst s3  }
0xc: {  	[smem:$0x3FA1] =	sst s4  }
0xd: {  	[smem:$0x3FA2] =	sst s5  }
0xe: {  	[smem:$0x3FA3] =	sst s6  }
0xf: {  	[smem:$0x3FA4] =	sst s7  }
0x10: {  	[smem:$0x3FA5] =	sst s8  }
0x11: {  	[smem:$0x3FA6] =	sst s9;
	s0 =	simm.s32 @!p0 $0x0  }
0x12: {  	s1 =	sld [smem:$0x3F8C];
	s0 =	simm.s32 @p0 $0x1  }
0x13: {  	[smem:$0x3FA7] =	sst s0;
	s0 =	simm.s32 @!p1 $0x0  }
0x14: {  	s2 =	sld [smem:$0x3F8B];
	s0 =	simm.s32 @p1 $0x1  }
0x15: {  	[smem:$0x3FA8] =	sst s0;
	s0 =	simm.s32 @!p2 $0x0  }
0x16: {  	s3 =	sld [smem:$0x3FDB];
	s0 =	simm.s32 @p2 $0x1  }
0x17: {  	s4 =	simm.s32 $0x1BF5;
	[smem:$0x3FAA] =	sst s0  }
0x18: {  	s0 =	sld [smem:$0x3F8D];
	_ =	swait.ge [sflag:s4], $0x0  }
0x19: {  	s7 =	sld [smem:$0x3F8E]  }
0x1a: {  	s8 =	sadd.s32 $0xFFFFE003, lr  }
0x1b: {  	s9 =	sadd.s32 $0xFFFFFEF7, lr;
	s5 =	simm.s32 $0xFFFFFFFF;
	p2 =	slt.u32 s8, $0xFFFFF086  }
0x1c: {  	p1 =	slt.u32 s9, $0xF7A;
	s5 =	simm.s32 @!p2 $0x0  }
0x1d: {  	s5 =	simm.s32 @p1 $0x1;
	p0 =	seq.s32 s7, s2  }
0x1e: {  	s7 =	smul.u32 @!p0 $0xF7A, s2;
	p2 =	seq.s32 @!p0 s5, $0x0  }
0x1f: {  	s9 =	smul.u32 $0xF7A, s1;
	s8 =	simm.s32 @!p0 $0x1BF5;
	p2 =	por !p2, p0  }
0x20: {  	[sflag:s8] =	ssyncset.s32 @!p0 $0xFFFFF086;
	s6 =	sadd.s32 @!p0 s3, s7;
	s7 =	simm.s32 @!p0 $0x108  }
0x21: {  	s3 =	sadd.s32 s3, s9;
	s6 =	sadd.s32 @!p0 $0x88, s6;
	s7 =	simm.s32 @p2 $0x1082  }
0x22: {  	[simem:s7], [sflag:s8] =	dma.local @!p0 [hbm:s6], $0xF7A  }
0x23: {  	s9 =	sor.u32 $0xD0000000, s2;
	s6 =	simm.s32 $0x108;
	_ =	swait.ge @!p0 [sflag:s8], $0x0  }
0x24: {  	s3 =	sadd.s32 $0x88, s3;
	s6 =	simm.s32 @!p1 $0x1082;
	[sflag:s4] =	ssyncset.s32 $0xFFFFF086  }
0x25: {  	[simem:s6], [sflag:s4] =	dma.local [hbm:s3], $0xF7A  }
0x26: {  	[smem:$0x3F8E] =	sst s1;
	(tag) =	ssettag s2;
	_ =	strace s9  }
0x27: {  	s1 =	sld [smem:$0x3F9E]  }
0x28: {  	s2 =	sld [smem:$0x3F9F]  }
0x29: {  	s4 =	sld [smem:$0x3FA1]  }
0x2a: {  	p0 =	seq.s32 s5, $0x0;
	s5 =	sld [smem:$0x3FA2]  }
0x2b: {  	s6 =	sld [smem:$0x3FA3]  }
0x2c: {  	s7 =	sld [smem:$0x3FA4]  }
0x2d: {  	s3 =	simm.s32 $0x108;
	s8 =	sld [smem:$0x3FA5]  }
0x2e: {  	s3 =	simm.s32 @!p0 $0x1082;
	s9 =	sld [smem:$0x3FA6]  }
0x2f: {  	lr =	sadd.s32 s0, s3;
	s0 =	sld [smem:$0x3F9D]  }
0x30: {  	s3 =	sld [smem:$0x3FA0]  }
0x31: {  	[smem:$0x3FA9] =	sst s10  }
0x32: {  	s10 =	sld [smem:$0x3FA7];
	_ =	sdelay $0x3  }
0x33: {  	p0 =	seq.s32 s10, $0x1;
	s10 =	sld [smem:$0x3FA9];
	_ =	sdelay $0x3  }
0x34: {  	[smem:$0x3FA9] =	sst s10  }
0x35: {  	s10 =	sld [smem:$0x3FA8];
	_ =	sdelay $0x3  }
0x36: {  	p1 =	seq.s32 s10, $0x1;
	s10 =	sld [smem:$0x3FA9];
	_ =	sdelay $0x3  }
0x37: {  	[smem:$0x3FA9] =	sst s10  }
0x38: {  	s10 =	sld [smem:$0x3FAA]  }
0x39: {  	_ = 	snop;
	(pc) =	sbr.ind lr, $3  }
0x3a: {  	_ = 	snop  }
0x3b: {  	_ = 	snop  }
0x3c: {  	p2 =	seq.s32 s10, $0x1;
	s10 =	sld [smem:$0x3FA9]  }
0x3d: {  	_ =	shalt  }
0x3e: {  	_ =	shalt  }
0x3f: {  	_ =	shalt  }
0x40: {  	_ =	shalt  }
0x41: {  	_ =	shalt  }
0x42: {  	_ =	shalt  }
0x43: {  	_ =	shalt  }
0x44: {  	_ =	shalt  }
0x45: {  	_ =	shalt  }
0x46: {  	_ =	shalt  }
0x47: {  	_ =	shalt  }
0x48: {  	_ =	shalt  }
0x49: {  	_ =	shalt  }
0x4a: {  	_ =	shalt  }
0x4b: {  	_ =	shalt  }
0x4c: {  	_ =	shalt  }
0x4d: {  	_ =	shalt  }
0x4e: {  	_ =	shalt  }
0x4f: {  	_ =	shalt  }
0x50: {  	_ =	shalt  }
0x51: {  	_ =	shalt  }
0x52: {  	_ =	shalt  }
0x53: {  	_ =	shalt  }
0x54: {  	_ =	shalt  }
0x55: {  	_ =	shalt  }
0x56: {  	_ =	shalt  }
0x57: {  	_ =	shalt  }
0x58: {  	_ =	shalt  }
0x59: {  	_ =	shalt  }
0x5a: {  	_ =	shalt  }
0x5b: {  	_ =	shalt  }
0x5c: {  	_ =	shalt  }
0x5d: {  	_ =	shalt  }
0x5e: {  	_ =	shalt  }
0x5f: {  	_ =	shalt  }
0x60: {  	_ =	shalt  }
0x61: {  	_ =	shalt  }
0x62: {  	_ =	shalt  }
0x63: {  	_ =	shalt  }
0x64: {  	_ =	shalt  }
0x65: {  	_ =	shalt  }
0x66: {  	_ =	shalt  }
0x67: {  	_ =	shalt  }
0x68: {  	_ =	shalt  }
0x69: {  	_ =	shalt  }
0x6a: {  	_ =	shalt  }
0x6b: {  	_ =	shalt  }
0x6c: {  	_ =	shalt  }
0x6d: {  	_ =	shalt  }
0x6e: {  	_ =	shalt  }
0x6f: {  	_ =	shalt  }
0x70: {  	_ =	shalt  }
0x71: {  	_ =	shalt  }
0x72: {  	_ =	shalt  }
0x73: {  	_ =	shalt  }
0x74: {  	_ =	shalt  }
0x75: {  	_ =	shalt  }
0x76: {  	_ =	shalt  }
0x77: {  	_ =	shalt  }
0x78: {  	_ =	shalt  }
0x79: {  	_ =	shalt  }
0x7a: {  	_ =	shalt  }
0x7b: {  	_ =	shalt  }
0x7c: {  	_ =	shalt  }
0x7d: {  	_ =	shalt  }
0x7e: {  	_ =	shalt  }
0x7f: {  	_ =	shalt  }
0x80: {  	_ =	shalt  }
0x81: {  	_ =	shalt  }
0x82: {  	_ =	shalt  }
0x83: {  	_ =	shalt  }
0x84: {  	_ =	shalt  }
0x85: {  	_ =	shalt  }
0x86: {  	_ =	shalt  }
0x87: {  	_ =	shalt  }
.Lfunc_end0:
.L_simem_size_0:
called_computation.1_lowered:
.L_overlay_start_0:
0x88: {  	s2 =	sld [smem:$0x3FD9]  }
0x89: {  	s3 =	sld [smem:$0x3FFE];
	_ =	sdelay $0x1  }
0x8a: {  	s1 =	srdreg.scid  }
0x8b: {  	s0 =	sand.u32 $0x1, s1  }
0x8c: {  	s16 =	sshll.u32 s0, $0xA;
	s2 =	sadd.s32 s3, s2  }
0x8d: {  	s2 =	sadd.s32 s2, s16  }
0x8e: {  	[smem:$0x3FB5] =	sst s2  }
0x8f: {  	_ = 	snop  }
0x90: {  	(tm) =	ssettm $0x1  }
0x91: {  	s17 =	sld [smem:$0x3FFB];
	_ =	sdelay $0x3  }
0x92: {  	_ =	strace s17  }
0x93: {  	s2 =	sld [smem:$0x3FFC];
	_ =	sdelay $0x3  }
0x94: {  	_ =	strace s2  }
0x95: {  	s2 =	sld [smem:$0x3FFD];
	_ =	sdelay $0x3  }
0x96: {  	_ =	strace s2  }
0x97: {  	_ =	strace $0x8FFFFFFF  }
0x98: {  	s18 =	sld [smem:$0x3FDB];
	_ =	sdelay $0x1  }
0x99: {  	s19 =	simm.s32 $_scs_section_size  }
0x9a: {  	s4 =	simm.s32 $_size__tile_overlayer_lowered;
	s5 =	simm.s32 $_tile_overlayer_lowered  }
0x9b: {  	s22 =	simm.s32 $0x1BFF;
	s21 =	sshll.u32 s5, $0x1;
	s2 =	sadd.s32 s19, s18  }
0x9c: {  	s6 =	simm.s32 $0x0;
	s20 =	sshll.u32 s4, $0x1;
	s4 =	sadd.s32 s21, s2  }
0x9d: {  	[timem:s6], [sflag:s22] =	dma.local [hbm:s4], s20  }
0x9e: {  	_ =	swait.ge [sflag:s22], s20  }
0x9f: {  	s3 =	ssub.s32 $0x0, s20;
	[sflag:s22] =	ssyncset.done $0x0  }
0xa0: {  	[sflag:s22] =	ssyncadd.s32 s3;
	_ =	sdelay $0x1  }
0xa1: {  	s23 =	simm.s32 $0x1B8B  }
0xa2: {  	_ =	swait.ge [sflag:s23], $0x1  }
0xa3: {  	[sflag:s23] =	ssyncset.done $0x0  }
0xa4: {  	s25 =	simm.s32 $0x1B8E;
	s24 =	sld [smem:$0x3FFE];
	[sflag:s23] =	ssyncadd.s32 $0xFFFFFFFF  }
0xa5: {  	s26 =	simm.s32 $execute0_lowered;
	[smem:$0x3FD2] =	sst s25  }
0xa6: {  	s4 =	sshll.u32 s26, $0x1;
	_ =	strace $0x80000049;
	[dreg:$0x1] =	wrdreg $0xFFFFFFFF  }
0xa7: {  	s28 =	simm.s32 $_size_execute0_lowered;
	s2 =	sadd.s32 s2, s4;
	[dreg:$0x0] =	wrdreg $0x0  }
0xa8: {  	s4 =	sshll.u32 s28, $0x1;
	[dreg:$0x2] =	wrdreg s2  }
0xa9: {  	[dreg:$0x3] =	wrdreg s4  }
0xaa: {  	[dreg:$0x4] =	wrdreg $0xC0  }
0xab: {  	_ =	task [dreg:s6], $0x5FFFF  }
0xac: {  	[dreg:$0x1] =	wrdreg $0xFFFFFFFF  }
0xad: {  	[dreg:$0x0] =	wrdreg $0x60  }
0xae: {  	[dreg:$0x2] =	wrdreg s24  }
0xaf: {  	[dreg:$0x3] =	wrdreg $0x43800  }
0xb0: {  	[dreg:$0x4] =	wrdreg $0x9  }
0xb1: {  	_ =	task.clear_ibuf [dreg:s6], $0x5FFFF;
	_ =	strace $0x90000049  }
0xb2: {  	s29 =	simm.s32 $0x9;
	_ =	strace $0x8000004B  }
0xb3: {  	_ =	swait.ge [sflag:s29], $0x1  }
0xb4: {  	[sflag:s29] =	ssyncadd.s32 $0xFFFFFFFF  }
0xb5: {  	_ =	strace $0x9000004B  }
0xb6: {  	_ =	sfence  }
0xb7: {  	s30 =	sld [smem:$0x0];
	_ =	sdelay $0x2  }
0xb8: {  	s31 =	sshll.u32 s1, $0xD;
	s1 =	sshrl.u32 s1, $0x2  }
0xb9: {  	s3 =	sand.u32 $0x4000, s31;
	s1 =	sadd.s32 s1, s30  }
0xba: {  	s0 =	sor.u32 s3, s0;
	s1 =	sshll.u32 s1, $0x11  }
0xbb: {  	s0 =	sor.u32 s1, s0  }
0xbc: {  	s0 =	sadd.s32 $0x8F2B, s0  }
0xbd: {  	[sflag:s0] =	ssyncadd.remote.s32 $0x1  }
0xbe: {  	_ =	sfence.sel $0xFFFF  }
0xbf: {  	[dreg:$0x0] =	wrdreg $0xFFFFFFFF;
	(pc) =	sbr.abs _section_cstart, $3  }
0xc0: {  	[dreg:$0x1] =	wrdreg $0xFFFFFFFF  }
0xc1: {  	_ =	task.clear_ibuf [dreg:s6], $0x2FFFF;
	_ =	strace $0x9FFFFFFF  }
0xc2: {  	(tm) =	ssettm $0x7FFFFFFF  }
0xc3: {  	_ =	shalt  }
tec
execute0_lowered:
.L_overlay_start_1:
0x0: {  	(tag) =	ssettag $0x1  }
0x1: {  	s0 =	rddreg [dreg:$0x0]  }
0x2: {  	s1 =	rddreg [dreg:$0x1];
	s2 =	simm.s32 $0x0;
	s3 =	srdreg.scid  }
0x3: {  	s5 =	stileid.u32;
	s20 =	simm.s32 $0xB80;
	s22 =	simm.s32 $0xF80  }
0x4: {  	s23 =	simm.s32 $0x180;
	s24 =	simm.s32 $0x1380;
	s25 =	simm.s32 $0x200  }
0x5: {  	s26 =	simm.s32 $0x1780;
	s28 =	simm.s32 $0x600;
	s29 =	simm.s32 $0x3780  }
0x6: {  	s30 =	simm.s32 $0x680;
	s31 =	simm.s32 $0x3B80;
	[smem:$0x7FF] =	sst s2  }
0x7: {  	s21 =	simm.s32 $0x100;
	s4 =	sadd.s32 $0x9BDA00, s0;
	s10 =	sadd.s32 $0x310800, s0  }
0x8: {  	s3 =	sand.u32 $0x1, s3;
	_ =	strace $0x8000004A;
	[dreg:$0xb] =	wrdreg s10  }
0x9: {  	s7 =	sshll.u32 s5, $0x8;
	s11 =	smul.u32 $0x30C0, s5;
	[dreg:$0x4] =	wrdreg s20  }
0xa: {  	s9 =	sadd.s32 $0x189E00, s0;
	s19 =	smul.u32 $0x18600, s5;
	[dreg:$0x5] =	wrdreg s21  }
0xb: {  	p0 =	sne.s32 s5, $0x0;
	p1 =	slt.u32 s5, $0xA;
	[dreg:$0x6] =	wrdreg s22  }
0xc: {  	s6 =	smul.u32 $0x186A0, s3;
	s8 =	sshll.u32 s3, $0x7;
	[dreg:$0x7] =	wrdreg s23  }
0xd: {  	s12 =	ssub.s32 $0x2, s3;
	s16 =	smul.u32 $0x1860, s3;
	[dreg:$0x8] =	wrdreg s24  }
0xe: {  	s3 =	smul.u32 $0xC300, s3;
	s10 =	simm.s32 $0x2;
	[dreg:$0x9] =	wrdreg s25  }
0xf: {  	[dreg:$0xa] =	wrdreg s26;
	s20 =	simm.s32 $0x2780;
	s21 =	simm.s32 $0x480  }
0x10: {  	s22 =	simm.s32 $0x2B80;
	s23 =	simm.s32 $0x500;
	p2 =	sne.s32 @p1 s5, $0x0  }
0x11: {  	s24 =	simm.s32 $0x2F80;
	s25 =	simm.s32 $0x580;
	s26 =	simm.s32 $0x3380  }
0x12: {  	s7 =	sor.u32 s8, s7;
	s13 =	sshrl.u32 s12, $0x1;
	s17 =	sadd.s32 s11, s4  }
0x13: {  	s11 =	simm.s32 $0x780;
	p2 =	por p2, !p1;
	s0 =	sadd.s32 s6, s0  }
0x14: {  	s7 =	sor.u32 $0x186000, s7;
	s6 =	ssub.s32 s12, s13;
	s12 =	simm.s32 $0x80  }
0x15: {  	s13 =	simm.s32 $0x280;
	s14 =	sshrl.u32 s7, $0x3;
	s7 =	sadd.s32 s9, s7  }
0x16: {  	s0 =	sadd.s32 $0x329000, s0;
	s18 =	smax.u32 s6, $0x1;
	[dreg:$0xd] =	wrdreg s7  }
0x17: {  	s6 =	simm.s32 $0x0;
	s15 =	sadd.s32 s4, s14;
	[dreg:$0xe] =	wrdreg s0  }
0x18: {  	[dreg:$0xf] =	wrdreg s18;
	s0 =	sadd.s32 s16, s17;
	s4 =	sadd.s32 s19, s9  }
0x19: {  	s14 =	simm.s32 $0x1B80;
	s16 =	simm.s32 $0x1F80;
	s17 =	simm.s32 $0x380  }
0x1a: {  	s18 =	simm.s32 $0x2380;
	s19 =	simm.s32 $0x400;
	[dreg:$0xc] =	wrdreg s15  }
0x1b: {  	[dreg:$0x3] =	wrdreg s0;
	s3 =	sadd.s32 s3, s4;
	s15 =	simm.s32 $0x300  }
0x1c: {  	s0 =	simm.s32 $0x700;
	[dreg:$0x10] =	wrdreg s3;
	s3 =	sshrl.u32 @!p0 s1, $0x3  }
0x1d: {  	s4 =	simm.s32 $0x1;
	[dreg:$0x11] =	wrdreg s3;
	s3 =	simm.s32 $0x3F80  }
.LBB2_1:
0x1e: {  	[dreg:$0x12] =	wrdreg s6  }
0x1f: {  	s5 =	rddreg [dreg:$0xb]  }
0x20: {  	s6 =	simm.s32 @!p0 $0x1C02;
	s7 =	rddreg [dreg:$0x11]  }
0x21: {  	[spmem:s7], [sflag:s6] =	dma.local @!p0 [hbm:s5], $0x186A0  }
0x22: {  	s6 =	simm.s32 @!p0 $0x2  }
0x23: {  	_ =	swait.ge @!p0 [sflag:s6], $0x186A0  }
0x24: {  	[sflag:s6] =	ssyncset.done @!p0 $0x0  }
0x25: {  	[sflag:s6] =	ssyncadd.s32 @!p0 $0xFFFE7960  }
0x26: {  	[bflag:$0x0] =	sbarrier.arrive $0xFFFF  }
0x27: {  	s9 =	rddreg [dreg:$0x3]  }
0x28: {  	s6 =	sadd.s32 $0x0, s9  }
0x29: {  	[tilespmem:s2], [sflag:$0x2] =	stream.linear.gather [hbm4b:s6+s2], $0x780, $0x38;
	[tilespmem:$0x106D0] =	vst v63  }
0x2a: {  	_ =	swait.ge [sflag:s10], $0x780  }
0x2b: {  	[sflag:s10] =	ssyncset.done $0x0  }
0x2c: {  	s5 =	rddreg [dreg:$0x10];
	[sflag:s10] =	ssyncadd.s32 $0xFFFFF880  }
0x2d: {  	[tilespmem:s11], [sflag:$0x2] =	stream.linear.gather [hbm4b:s5+s2], $0x3C00, $0x38;
	[tilespmem:$0x106D0] =	vst v63  }
0x2e: {  	_ =	swait.ge [sflag:s10], $0x3C00  }
0x2f: {  	s6 =	rddreg [dreg:$0x5]  }
0x30: {  	[sflag:s10] =	ssyncset.done $0x0;
	s8 =	rddreg [dreg:$0x4]  }
0x31: {  	s9 =	rddreg [dreg:$0x6];
	[sflag:s10] =	ssyncadd.s32 $0xFFFFC400  }
0x32: {  	[spmem:s1] =	stream.indirect.scatter.add.f32 [tilespmem:s11], [sflag:$0x1], $0x8, s2, s12, $0xb8;
	[tilespmem:$0x106D0] =	vst v63  }
0x33: {  	s7 =	rddreg [dreg:$0x8]  }
0x34: {  	[spmem:s1] =	stream.indirect.scatter.add.f32 [tilespmem:s8], [sflag:$0x1], $0x8, s12, s12, $0xb8;
	[tilespmem:$0x106D0] =	vst v63  }
0x35: {  	s8 =	rddreg [dreg:$0x7]  }
0x36: {  	[spmem:s1] =	stream.indirect.scatter.add.f32 [tilespmem:s9], [sflag:$0x1], $0x8, s6, s12, $0xb8;
	[tilespmem:$0x106D0] =	vst v63  }
0x37: {  	s6 =	rddreg [dreg:$0xa]  }
0x38: {  	[spmem:s1] =	stream.indirect.scatter.add.f32 [tilespmem:s7], [sflag:$0x1], $0x8, s8, s12, $0xb8;
	[tilespmem:$0x106D0] =	vst v63  }
0x39: {  	s9 =	rddreg [dreg:$0x9]  }
0x3a: {  	[spmem:s1] =	stream.indirect.scatter.add.f32 [tilespmem:s6], [sflag:$0x1], $0x8, s9, s12, $0xb8;
	[tilespmem:$0x106D0] =	vst v63  }
0x3b: {  	_ = 	snop  }
0x3c: {  	[spmem:s1] =	stream.indirect.scatter.add.f32 [tilespmem:s14], [sflag:$0x1], $0x8, s13, s12, $0xb8;
	[tilespmem:$0x106D0] =	vst v63  }
0x3d: {  	_ = 	snop  }
0x3e: {  	[spmem:s1] =	stream.indirect.scatter.add.f32 [tilespmem:s16], [sflag:$0x1], $0x8, s15, s12, $0xb8;
	[tilespmem:$0x106D0] =	vst v63  }
0x3f: {  	_ = 	snop  }
0x40: {  	[spmem:s1] =	stream.indirect.scatter.add.f32 [tilespmem:s18], [sflag:$0x1], $0x8, s17, s12, $0xb8;
	[tilespmem:$0x106D0] =	vst v63  }
0x41: {  	_ = 	snop  }
0x42: {  	[spmem:s1] =	stream.indirect.scatter.add.f32 [tilespmem:s20], [sflag:$0x1], $0x8, s19, s12, $0xb8;
	[tilespmem:$0x106D0] =	vst v63  }
0x43: {  	_ = 	snop  }
0x44: {  	[spmem:s1] =	stream.indirect.scatter.add.f32 [tilespmem:s22], [sflag:$0x1], $0x8, s21, s12, $0xb8;
	[tilespmem:$0x106D0] =	vst v63  }
0x45: {  	_ = 	snop  }
0x46: {  	[spmem:s1] =	stream.indirect.scatter.add.f32 [tilespmem:s24], [sflag:$0x1], $0x8, s23, s12, $0xb8;
	[tilespmem:$0x106D0] =	vst v63  }
0x47: {  	_ = 	snop  }
0x48: {  	[spmem:s1] =	stream.indirect.scatter.add.f32 [tilespmem:s26], [sflag:$0x1], $0x8, s25, s12, $0xb8;
	[tilespmem:$0x106D0] =	vst v63  }
0x49: {  	_ = 	snop  }
0x4a: {  	[spmem:s1] =	stream.indirect.scatter.add.f32 [tilespmem:s29], [sflag:$0x1], $0x8, s28, s12, $0xb8;
	[tilespmem:$0x106D0] =	vst v63  }
0x4b: {  	_ = 	snop  }
0x4c: {  	[spmem:s1] =	stream.indirect.scatter.add.f32 [tilespmem:s31], [sflag:$0x1], $0x8, s30, s12, $0xb8;
	[tilespmem:$0x106D0] =	vst v63  }
0x4d: {  	_ = 	snop  }
0x4e: {  	[spmem:s1] =	stream.indirect.scatter.add.f32 [tilespmem:s3], [sflag:$0x1], $0x8, s0, s12, $0xb8;
	[tilespmem:$0x106D0] =	vst v63  }
0x4f: {  	_ =	swait.ge [sflag:s4], $0x400  }
0x50: {  	[sflag:s4] =	ssyncset.done $0x0  }
0x51: {  	[sflag:s4] =	ssyncadd.s32 $0xFFFFFC00  }
0x52: {  	_ =	swait.ge [sflag:s4], $0x400  }
0x53: {  	[sflag:s4] =	ssyncset.done $0x0  }
0x54: {  	[sflag:s4] =	ssyncadd.s32 $0xFFFFFC00  }
0x55: {  	_ =	swait.ge [sflag:s4], $0x400  }
0x56: {  	[sflag:s4] =	ssyncset.done $0x0  }
0x57: {  	[sflag:s4] =	ssyncadd.s32 $0xFFFFFC00  }
0x58: {  	_ =	swait.ge [sflag:s4], $0x400  }
0x59: {  	[sflag:s4] =	ssyncset.done $0x0  }
0x5a: {  	[sflag:s4] =	ssyncadd.s32 $0xFFFFFC00  }
0x5b: {  	_ =	swait.ge [sflag:s4], $0x400  }
0x5c: {  	[sflag:s4] =	ssyncset.done $0x0  }
0x5d: {  	[sflag:s4] =	ssyncadd.s32 $0xFFFFFC00  }
0x5e: {  	_ =	swait.ge [sflag:s4], $0x400  }
0x5f: {  	[sflag:s4] =	ssyncset.done $0x0  }
0x60: {  	[sflag:s4] =	ssyncadd.s32 $0xFFFFFC00  }
0x61: {  	_ =	swait.ge [sflag:s4], $0x400  }
0x62: {  	[sflag:s4] =	ssyncset.done $0x0  }
0x63: {  	[sflag:s4] =	ssyncadd.s32 $0xFFFFFC00  }
0x64: {  	_ =	swait.ge [sflag:s4], $0x400  }
0x65: {  	[sflag:s4] =	ssyncset.done $0x0  }
0x66: {  	[sflag:s4] =	ssyncadd.s32 $0xFFFFFC00  }
0x67: {  	_ =	swait.ge [sflag:s4], $0x400  }
0x68: {  	[sflag:s4] =	ssyncset.done $0x0  }
0x69: {  	[sflag:s4] =	ssyncadd.s32 $0xFFFFFC00  }
0x6a: {  	_ =	swait.ge [sflag:s4], $0x400  }
0x6b: {  	[sflag:s4] =	ssyncset.done $0x0  }
0x6c: {  	[sflag:s4] =	ssyncadd.s32 $0xFFFFFC00  }
0x6d: {  	_ =	swait.ge [sflag:s4], $0x400  }
0x6e: {  	[sflag:s4] =	ssyncset.done $0x0  }
0x6f: {  	[sflag:s4] =	ssyncadd.s32 $0xFFFFFC00  }
0x70: {  	_ =	swait.ge [sflag:s4], $0x400  }
0x71: {  	[sflag:s4] =	ssyncset.done $0x0  }
0x72: {  	[sflag:s4] =	ssyncadd.s32 $0xFFFFFC00  }
0x73: {  	_ =	swait.ge [sflag:s4], $0x400  }
0x74: {  	[sflag:s4] =	ssyncset.done $0x0  }
0x75: {  	[sflag:s4] =	ssyncadd.s32 $0xFFFFFC00  }
0x76: {  	_ =	swait.ge [sflag:s4], $0x400  }
0x77: {  	[sflag:s4] =	ssyncset.done $0x0  }
0x78: {  	s8 =	smov.u32 s5;
	s6 =	simm.s32 $0xF0;
	[sflag:s4] =	ssyncadd.s32 $0xFFFFFC00  }
.LBB2_2:
0x79: {  	_ =	swait.ge [sflag:s4], $0x400  }
0x7a: {  	s7 =	smov.u32 s6;
	s9 =	rddreg [dreg:$0x3];
	[sflag:s4] =	ssyncset.done $0x0  }
0x7b: {  	[sflag:s4] =	ssyncadd.s32 $0xFFFFFC00;
	s7 =	sadd.s32 s7, s9  }
0x7c: {  	[tilespmem:s2], [sflag:$0x2] =	stream.linear.gather [hbm4b:s7+s2], $0x780, $0x38;
	[tilespmem:$0x106D0] =	vst v63  }
0x7d: {  	_ =	swait.ge [sflag:s10], $0x780  }
0x7e: {  	[sflag:s10] =	ssyncset.done $0x0  }
0x7f: {  	s8 =	sadd.s32 $0x780, s8;
	[sflag:s10] =	ssyncadd.s32 $0xFFFFF880  }
0x80: {  	[tilespmem:s11], [sflag:$0x2] =	stream.linear.gather [hbm4b:s8+s2], $0x3C00, $0x38;
	[tilespmem:$0x106D0] =	vst v63  }
0x81: {  	_ =	swait.ge [sflag:s10], $0x3C00  }
0x82: {  	s7 =	rddreg [dreg:$0xa]  }
0x83: {  	[sflag:s10] =	ssyncset.done $0x0;
	s9 =	rddreg [dreg:$0x5]  }
0x84: {  	s5 =	rddreg [dreg:$0x4];
	[sflag:s10] =	ssyncadd.s32 $0xFFFFC400  }
0x85: {  	[spmem:s1] =	stream.indirect.scatter.add.f32 [tilespmem:s11], [sflag:$0x1], $0x8, s2, s12, $0xb8;
	[tilespmem:$0x106D0] =	vst v63  }
0x86: {  	s13 =	rddreg [dreg:$0x6]  }
0x87: {  	[spmem:s1] =	stream.indirect.scatter.add.f32 [tilespmem:s5], [sflag:$0x1], $0x8, s12, s12, $0xb8;
	[tilespmem:$0x106D0] =	vst v63  }
0x88: {  	s14 =	rddreg [dreg:$0x8]  }
0x89: {  	[spmem:s1] =	stream.indirect.scatter.add.f32 [tilespmem:s13], [sflag:$0x1], $0x8, s9, s12, $0xb8;
	[tilespmem:$0x106D0] =	vst v63  }
0x8a: {  	s5 =	rddreg [dreg:$0x7]  }
0x8b: {  	[spmem:s1] =	stream.indirect.scatter.add.f32 [tilespmem:s14], [sflag:$0x1], $0x8, s5, s12, $0xb8;
	[tilespmem:$0x106D0] =	vst v63  }
0x8c: {  	s9 =	rddreg [dreg:$0x9]  }
0x8d: {  	[spmem:s1] =	stream.indirect.scatter.add.f32 [tilespmem:s7], [sflag:$0x1], $0x8, s9, s12, $0xb8;
	[tilespmem:$0x106D0] =	vst v63  }
0x8e: {  	s13 =	simm.s32 $0x280;
	s14 =	simm.s32 $0x1B80  }
0x8f: {  	[spmem:s1] =	stream.indirect.scatter.add.f32 [tilespmem:s14], [sflag:$0x1], $0x8, s13, s12, $0xb8;
	[tilespmem:$0x106D0] =	vst v63  }
0x90: {  	_ = 	snop  }
0x91: {  	[spmem:s1] =	stream.indirect.scatter.add.f32 [tilespmem:s16], [sflag:$0x1], $0x8, s15, s12, $0xb8;
	[tilespmem:$0x106D0] =	vst v63  }
0x92: {  	_ = 	snop  }
0x93: {  	[spmem:s1] =	stream.indirect.scatter.add.f32 [tilespmem:s18], [sflag:$0x1], $0x8, s17, s12, $0xb8;
	[tilespmem:$0x106D0] =	vst v63  }
0x94: {  	_ = 	snop  }
0x95: {  	[spmem:s1] =	stream.indirect.scatter.add.f32 [tilespmem:s20], [sflag:$0x1], $0x8, s19, s12, $0xb8;
	[tilespmem:$0x106D0] =	vst v63  }
0x96: {  	_ = 	snop  }
0x97: {  	[spmem:s1] =	stream.indirect.scatter.add.f32 [tilespmem:s22], [sflag:$0x1], $0x8, s21, s12, $0xb8;
	[tilespmem:$0x106D0] =	vst v63  }
0x98: {  	_ = 	snop  }
0x99: {  	[spmem:s1] =	stream.indirect.scatter.add.f32 [tilespmem:s24], [sflag:$0x1], $0x8, s23, s12, $0xb8;
	[tilespmem:$0x106D0] =	vst v63  }
0x9a: {  	_ = 	snop  }
0x9b: {  	[spmem:s1] =	stream.indirect.scatter.add.f32 [tilespmem:s26], [sflag:$0x1], $0x8, s25, s12, $0xb8;
	[tilespmem:$0x106D0] =	vst v63  }
0x9c: {  	_ = 	snop  }
0x9d: {  	[spmem:s1] =	stream.indirect.scatter.add.f32 [tilespmem:s29], [sflag:$0x1], $0x8, s28, s12, $0xb8;
	[tilespmem:$0x106D0] =	vst v63  }
0x9e: {  	_ = 	snop  }
0x9f: {  	[spmem:s1] =	stream.indirect.scatter.add.f32 [tilespmem:s31], [sflag:$0x1], $0x8, s30, s12, $0xb8;
	[tilespmem:$0x106D0] =	vst v63  }
0xa0: {  	_ = 	snop  }
0xa1: {  	[spmem:s1] =	stream.indirect.scatter.add.f32 [tilespmem:s3], [sflag:$0x1], $0x8, s0, s12, $0xb8;
	[tilespmem:$0x106D0] =	vst v63  }
0xa2: {  	_ =	swait.ge [sflag:s4], $0x400  }
0xa3: {  	[sflag:s4] =	ssyncset.done $0x0  }
0xa4: {  	[sflag:s4] =	ssyncadd.s32 $0xFFFFFC00  }
0xa5: {  	_ =	swait.ge [sflag:s4], $0x400  }
0xa6: {  	[sflag:s4] =	ssyncset.done $0x0  }
0xa7: {  	[sflag:s4] =	ssyncadd.s32 $0xFFFFFC00  }
0xa8: {  	_ =	swait.ge [sflag:s4], $0x400  }
0xa9: {  	[sflag:s4] =	ssyncset.done $0x0  }
0xaa: {  	[sflag:s4] =	ssyncadd.s32 $0xFFFFFC00  }
0xab: {  	_ =	swait.ge [sflag:s4], $0x400  }
0xac: {  	[sflag:s4] =	ssyncset.done $0x0  }
0xad: {  	[sflag:s4] =	ssyncadd.s32 $0xFFFFFC00  }
0xae: {  	_ =	swait.ge [sflag:s4], $0x400  }
0xaf: {  	[sflag:s4] =	ssyncset.done $0x0  }
0xb0: {  	[sflag:s4] =	ssyncadd.s32 $0xFFFFFC00  }
0xb1: {  	_ =	swait.ge [sflag:s4], $0x400  }
0xb2: {  	[sflag:s4] =	ssyncset.done $0x0  }
0xb3: {  	[sflag:s4] =	ssyncadd.s32 $0xFFFFFC00  }
0xb4: {  	_ =	swait.ge [sflag:s4], $0x400  }
0xb5: {  	[sflag:s4] =	ssyncset.done $0x0  }
0xb6: {  	[sflag:s4] =	ssyncadd.s32 $0xFFFFFC00  }
0xb7: {  	_ =	swait.ge [sflag:s4], $0x400  }
0xb8: {  	[sflag:s4] =	ssyncset.done $0x0  }
0xb9: {  	[sflag:s4] =	ssyncadd.s32 $0xFFFFFC00  }
0xba: {  	_ =	swait.ge [sflag:s4], $0x400  }
0xbb: {  	[sflag:s4] =	ssyncset.done $0x0  }
0xbc: {  	[sflag:s4] =	ssyncadd.s32 $0xFFFFFC00  }
0xbd: {  	_ =	swait.ge [sflag:s4], $0x400  }
0xbe: {  	[sflag:s4] =	ssyncset.done $0x0  }
0xbf: {  	[sflag:s4] =	ssyncadd.s32 $0xFFFFFC00  }
0xc0: {  	_ =	swait.ge [sflag:s4], $0x400  }
0xc1: {  	[sflag:s4] =	ssyncset.done $0x0  }
0xc2: {  	[sflag:s4] =	ssyncadd.s32 $0xFFFFFC00  }
0xc3: {  	_ =	swait.ge [sflag:s4], $0x400  }
0xc4: {  	[sflag:s4] =	ssyncset.done $0x0  }
0xc5: {  	[sflag:s4] =	ssyncadd.s32 $0xFFFFFC00  }
0xc6: {  	p3 =	sne.s32 s6, $0x1770;
	_ =	swait.ge [sflag:s4], $0x400  }
.Ltmp0:
0xc7: {  	[sflag:s4] =	ssyncset.done $0x0;
	(pc) =	sbr.rel @p3 .LBB2_2-.Ltmp0, $4  }
0xc8: {  	[sflag:s4] =	ssyncadd.s32 $0xFFFFFC00  }
0xc9: {  	_ =	swait.ge [sflag:s4], $0x400  }
0xca: {  	[sflag:s4] =	ssyncset.done $0x0  }
0xcb: {  	s6 =	sadd.s32 $0xF0, s6;
	[sflag:s4] =	ssyncadd.s32 $0xFFFFFC00  }
0xcc: {  	_ =	swait.ge [sflag:s4], $0x400  }
0xcd: {  	[sflag:s4] =	ssyncset.done $0x0  }
0xce: {  	s5 =	simm.s32 @p1 $0x0;
	s6 =	rddreg [dreg:$0xc];
	[sflag:s4] =	ssyncadd.s32 $0xFFFFFC00  }
0xcf: {  	[tilespmem:s5], [sflag:$0x2] =	stream.linear.gather @p1 [hbm4b:s6+s5], $0x80, $0x38;
	[tilespmem:$0x106D0] =	vst v63  }
0xd0: {  	s6 =	simm.s32 @p1 $0x2  }
0xd1: {  	_ =	swait.ge @p1 [sflag:s6], $0x80  }
0xd2: {  	[sflag:s6] =	ssyncset.done @p1 $0x0  }
0xd3: {  	s7 =	simm.s32 @p1 $0x780;
	s8 =	rddreg [dreg:$0xd];
	[sflag:s6] =	ssyncadd.s32 @p1 $0xFFFFFF80  }
0xd4: {  	[tilespmem:s7], [sflag:$0x2] =	stream.linear.gather @p1 [hbm4b:s8+s5], $0x400, $0x38;
	[tilespmem:$0x106D0] =	vst v63  }
0xd5: {  	_ =	swait.ge @p1 [sflag:s6], $0x400  }
0xd6: {  	[sflag:s6] =	ssyncset.done @p1 $0x0  }
0xd7: {  	[sflag:s6] =	ssyncadd.s32 @p1 $0xFFFFFC00;
	s6 =	simm.s32 @p1 $0x80  }
0xd8: {  	[spmem:s1] =	stream.indirect.scatter.add.f32 @p1 [tilespmem:s7], [sflag:$0x1], $0x8, s5, s6, $0xb8;
	[tilespmem:$0x106D0] =	vst v63  }
0xd9: {  	s5 =	simm.s32 @p1 $0x1  }
0xda: {  	_ =	swait.ge @p1 [sflag:s5], $0x400  }
0xdb: {  	[sflag:s5] =	ssyncset.done @p1 $0x0  }
0xdc: {  	[sflag:s5] =	ssyncadd.s32 @p1 $0xFFFFFC00  }
0xdd: {  	[bflag:$0x0] =	sbarrier.arrive @p1 $0xFFFF  }
0xde: {  	s6 =	simm.s32 @!p2 $0x1C02;
	s5 =	sshrl.u32 @!p2 s1, $0x3;
	s7 =	rddreg [dreg:$0xe]  }
0xdf: {  	[hbm:s7], [sflag:s6] =	dma.local @!p2 [spmem:s5], $0x186A0  }
0xe0: {  	s5 =	simm.s32 @!p2 $0x2  }
0xe1: {  	_ =	swait.ge @!p2 [sflag:s5], $0x186A0  }
0xe2: {  	s8 =	rddreg [dreg:$0x12]  }
0xe3: {  	s9 =	rddreg [dreg:$0xf];
	s6 =	sadd.s32 $0x1, s8  }
0xe4: {  	p3 =	sne.s32 s6, s9  }
.Ltmp1:
0xe5: {  	_ = 	snop;
	(pc) =	sbr.rel @p3 .LBB2_1-.Ltmp1, $3  }
0xe6: {  	[sflag:s5] =	ssyncset.done @!p2 $0x0  }
0xe7: {  	[sflag:s5] =	ssyncadd.s32 @!p2 $0xFFFE7960  }
0xe8: {  	[bflag:$0x0] =	sbarrier.arrive @!p1 $0xFFFF;
	_ =	sdelay $0x1  }
0xe9: {  	_ =	sfence.sel $0x180000  }
0xea: {  	[bflag:$0x0] =	sbarrier.arrive $0xFFFF  }
0xeb: {  	_ =	strace $0x9000004A  }
0xec: {  	[bflag:$0x2] =	sbarrier.arrive $0xFFFF  }
0xed: {  	s0 =	rddreg [dreg:$0x2]  }
0xee: {  	s0 =	sadd.s32 @!p0 $0x100000, s0  }
0xef: {  	[sflag:s0] =	ssyncadd.tile.s32 @!p0 $0x1;
	_ =	shalt  }
.Lfunc_end2:
_tile_overlayer_lowered:
.L_overlay_start_2:
0xf0: {  	(tag) =	ssettag $0x2  }
0xf1: {  	s0 =	rddreg [dreg:$0x0];
	s2 =	stileid.u32  }
0xf2: {  	s1 =	rddreg [dreg:$0x1];
	p0 =	sne.s32 s2, $0x0  }
0xf3: {  	s3 =	rddreg [dreg:$0x2];
	[bflag:$0x3] =	sbarrier.arrive $0xFFFF;
	s2 =	simm.s32 @!p0 $0x1C02  }
0xf4: {  	[timem:s3], [sflag:s2] =	dma.local @!p0 [hbm:s0], s1  }
0xf5: {  	s0 =	simm.s32 @!p0 $0x2  }
0xf6: {  	_ =	swait.ge @!p0 [sflag:s0], s1  }
0xf7: {  	s1 =	ssub.s32 @!p0 $0x0, s1;
	[sflag:s0] =	ssyncset.done @!p0 $0x0  }
0xf8: {  	[sflag:s0] =	ssyncadd.s32 @!p0 s1  }
0xf9: {  	[bflag:$0x3] =	sbarrier.arrive $0xFFFF  }
0xfa: {  	_ =	shalt  }

</sc_bundles>
